<compile_context>
chip_gen: v7x
topology: tpu7x:2x2x1
jax: 0.10.2.dev20260603
libtpu: 0.0.44.dev20260713+nightly
codegen_flags: <defaults>
</compile_context>

<pallas_src>
import functools

import jax
import jax.numpy as jnp
from jax import lax
from jax.experimental import pallas as pl
from jax.experimental.pallas import tpu as pltpu
from jax.experimental.pallas import tpu_sc as plsc

Z_LOSS_COEF = 0.001
AUX_LOSS_COEF = 0.01

G = 4
T = 8192
E = 64
K = 2

NC = 2
NS = 16
NW = NC * NS
TOK_PER_W = (G * T) // NW
IDX_PER_W = TOK_PER_W * K
ROWS = IDX_PER_W // 128

R = T // 2


def _sc_hist_body(idx_hbm, out_hbm, idx_raw, scat_idx, scat_val, zbuf,
                  hist_sh, sem):
    c = lax.axis_index("c")
    s = lax.axis_index("s")
    wid = c * NS + s
    g = wid // (NW // G)
    off = (wid % (NW // G)) * IDX_PER_W
    pltpu.sync_copy(idx_hbm.at[g, pl.ds(off, IDX_PER_W)], idx_raw)

    gbase = g * E
    lane = lax.iota(jnp.int32, 16)
    odd = (lane % 2) == 1
    perm = lane ^ 1

    def row(j, carry):
        for l in range(8):
            w = idx_raw[pl.ds(j * 128 + l * 16, 16)]
            partner = lax.gather(
                w, perm[:, None],
                lax.GatherDimensionNumbers(
                    offset_dims=(), collapsed_slice_dims=(0,),
                    start_index_map=(0,)),
                slice_sizes=(1,),
                mode=lax.GatherScatterMode.PROMISE_IN_BOUNDS)
            dup = odd & (w == partner)
            scat_idx[j, pl.ds(l * 16, 16)] = w + gbase
            scat_val[j, pl.ds(l * 16, 16)] = jnp.where(dup, 0.0, 1.0)
        return carry

    lax.fori_loop(0, ROWS, row, 0)

    @pl.when(s == 0)
    def _():
        for i in range(G * E // 16):
            zbuf[pl.ds(i * 16, 16)] = jnp.zeros((16,), jnp.float32)
        pltpu.sync_copy(zbuf, hist_sh)

    plsc.subcore_barrier()
    copies = [
        pltpu.async_copy(scat_val.at[j], hist_sh.at[scat_idx.at[j]],
                         sem, add=True)
        for j in range(ROWS)
    ]
    for h in copies:
        h.wait()
    plsc.subcore_barrier()

    @pl.when(s == 0)
    def _():
        pltpu.sync_copy(hist_sh, out_hbm.at[c])


def _sc_hist(idx_2d):
    mesh = plsc.VectorSubcoreMesh(core_axis_name="c", subcore_axis_name="s")
    fn = functools.partial(
        pl.kernel,
        mesh=mesh,
        out_type=jax.ShapeDtypeStruct((NC, G * E), jnp.float32),
        scratch_types=[
            pltpu.VMEM((IDX_PER_W,), jnp.int32),
            pltpu.VMEM((ROWS, 128), jnp.int32),
            pltpu.VMEM((ROWS, 128), jnp.float32),
            pltpu.VMEM((G * E,), jnp.float32),
            pltpu.VMEM_SHARED((G * E,), jnp.float32),
            pltpu.SemaphoreType.DMA,
        ],
    )(_sc_hist_body)
    return fn(idx_2d)


def _tc_body(logits_ref, psum_ref, z_ref, zacc_ref):
    g = pl.program_id(0)

    x2 = logits_ref[...]
    m = jnp.max(x2, axis=1, keepdims=True)
    e = jnp.exp(x2 - m)
    li = lax.broadcasted_iota(jnp.int32, (2 * E, 2 * E), 0)
    lj = lax.broadcasted_iota(jnp.int32, (2 * E, 2 * E), 1)
    seg = ((li // E) == (lj // E)).astype(jnp.float32)
    s128 = lax.dot_general(e, seg, (((1,), (0,)), ((), ())),
                           preferred_element_type=jnp.float32)
    p = e * (1.0 / s128)
    lz = m + jnp.log(s128)
    lz2 = lz * lz
    ones_t = jnp.full((1, R), 1.0, jnp.float32)
    psum128 = lax.dot_general(ones_t, p, (((1,), (0,)), ((), ())),
                              preferred_element_type=jnp.float32)
    zc = lax.dot_general(ones_t, lz2, (((1,), (0,)), ((), ())),
                         preferred_element_type=jnp.float32)
    psum_ref[0] = psum128[:, :E] + psum128[:, E:]

    @pl.when(g == 0)
    def _():
        zacc_ref[0, 0] = 0.0

    zacc_ref[0, 0] += jnp.sum(zc) * (1.0 / E)

    @pl.when(g == G - 1)
    def _():
        z_ref[...] = jnp.full((1, 1), zacc_ref[0, 0], jnp.float32)


def _tc_main(logits2):
    return pl.pallas_call(
        _tc_body,
        grid=(G,),
        in_specs=[pl.BlockSpec((R, 2 * E), lambda g: (g, 0))],
        out_specs=[
            pl.BlockSpec((1, 1, E), lambda g: (g, 0, 0)),
            pl.BlockSpec((1, 1), lambda g: (0, 0)),
        ],
        out_shape=[
            jax.ShapeDtypeStruct((G, 1, E), jnp.float32),
            jax.ShapeDtypeStruct((1, 1), jnp.float32),
        ],
        scratch_shapes=[pltpu.SMEM((1, 1), jnp.float32)],
    )(logits2)


def kernel(router_logits, expert_indexes):
    if expert_indexes.dtype != jnp.int32:
        expert_indexes = expert_indexes.astype(jnp.int32)
    idx_2d = jnp.reshape(expert_indexes, (G, T * K))
    logits2 = jnp.reshape(router_logits, (G * R, 2 * E))
    cnt = _sc_hist(idx_2d)
    psum, z = _tc_main(logits2)
    psum = jnp.reshape(psum, (G, E))
    cnt_g = jnp.reshape(cnt, (NC, G, E)).sum(axis=0)
    z_loss = z[0, 0] / (G * T)
    aux_loss = jnp.sum(cnt_g * psum) * E / (T * T * G)
    return Z_LOSS_COEF * z_loss + AUX_LOSS_COEF * aux_loss

# --- scband reference (transcript-rebuilt; emitter-appended) ---
"""Pipeline reference for scband-switch-router-loss-8400956031008 (READ-ONLY COPY).

The authoritative reference and input builder live on the scoring server;
editing this copy changes nothing except your own understanding.
"""

import jax, jax.numpy as jnp
import numpy as np

Z_LOSS_COEF = 0.001
AUX_LOSS_COEF = 0.01


def setup_inputs(seed: int = 0) -> dict:
    key = jax.random.key(seed)
    k1, k2 = jax.random.split(key)
    router_logits = jax.random.normal(k1, (4, 8192, 64), dtype=jnp.float32)
    expert_indexes = jax.random.randint(k2, (4, 8192, 2), 0, 64, dtype=jnp.int64 if jax.config.read('jax_enable_x64') else jnp.int32)
    return {"router_logits": router_logits, "expert_indexes": expert_indexes}


def _z_loss(router_logits):
    num_groups, tokens_per_group, _ = router_logits.shape
    log_z = jax.scipy.special.logsumexp(router_logits, axis=-1)
    z_loss = log_z ** 2
    return jnp.sum(z_loss) / (num_groups * tokens_per_group)


def _load_balancing_loss(router_probs, expert_indices):
    num_experts = router_probs.shape[-1]
    if expert_indices.ndim == 2:
        expert_indices = expert_indices[:, :, None]
    # one_hot -> [groups, tokens, top_k, E]; max over top_k axis (-2)
    expert_mask = jax.nn.one_hot(expert_indices, num_experts, dtype=jnp.float32)
    expert_mask = jnp.max(expert_mask, axis=-2)
    tokens_per_group_and_expert = jnp.mean(expert_mask, axis=-2)
    router_prob_per_group_and_expert = jnp.mean(router_probs, axis=-2)
    return jnp.mean(tokens_per_group_and_expert * router_prob_per_group_and_expert) * num_experts ** 2


def reference(router_logits, expert_indexes):
    # single router output, so _switch_unpack_router_logits concat is identity
    z_loss = _z_loss(router_logits)
    router_probs = jax.nn.softmax(router_logits, axis=-1)
    aux_loss = _load_balancing_loss(router_probs, expert_indexes)
    return Z_LOSS_COEF * z_loss + AUX_LOSS_COEF * aux_loss

if __name__ == "__main__":
    import jax
    _d = setup_inputs()
    print(jax.jit(kernel)(*tuple(_d.values())))

</pallas_src>

<mosaic_0001>
#map = affine_map<(d0, d1) -> (0, 0)>
module attributes {stable_mosaic.version = 14 : i64} {
  func.func @_sc_hist_body(%arg0: i32, %arg1: i32, %arg2: memref<4x16384xi32, #tpu.memory_space<hbm>>, %arg3: memref<2x256xf32, #tpu.memory_space<hbm>>, %arg4: memref<2048xi32, #tpu.memory_space<vmem>>, %arg5: memref<16x128xi32, #tpu.memory_space<vmem>>, %arg6: memref<16x128xf32, #tpu.memory_space<vmem>>, %arg7: memref<256xf32, #tpu.memory_space<vmem>>, %arg8: memref<256xf32, #tpu.memory_space<vmem_shared>>, %arg9: memref<!tpu.dma_semaphore, #tpu.memory_space<semaphore_mem>>) attributes {dimension_semantics = [#tpu.dimension_semantics<core_parallel>, #tpu.dimension_semantics<subcore_parallel>], iteration_bounds = array<i64: 2, 16>, scalar_prefetch = 0 : i64, scratch_operands = 6 : i64, tpu.core_type = #tpu.core_type<sc_vector_subcore>, window_params = [{transform_indices = #map}, {transform_indices = #map}]} {
    %mul3A = arith.constant 16 : i32
    %mul3A_0 = arith.muli %arg0, %mul3A : i32
    %add3A = arith.addi %mul3A_0, %arg1 : i32
    %jit3A = arith.constant 8 : i32
    %div3A = arith.divsi %add3A, %jit3A : i32
    %sign3A = arith.constant 0 : i32
    %sign3A_1 = arith.cmpi sgt, %add3A, %sign3A : i32
    %sign3A_2 = arith.extui %sign3A_1 : i1 to i32
    %sign3A_3 = arith.constant 0 : i32
    %sign3A_4 = arith.cmpi slt, %add3A, %sign3A_3 : i32
    %sign3A_5 = arith.extui %sign3A_4 : i1 to i32
    %sign3A_6 = arith.subi %sign3A_2, %sign3A_5 : i32
    %sign3A_7 = arith.constant 0 : i32
    %sign3A_8 = arith.cmpi sgt, %jit3A, %sign3A_7 : i32
    %sign3A_9 = arith.extui %sign3A_8 : i1 to i32
    %sign3A_10 = arith.constant 0 : i32
    %sign3A_11 = arith.cmpi slt, %jit3A, %sign3A_10 : i32
    %sign3A_12 = arith.extui %sign3A_11 : i1 to i32
    %sign3A_13 = arith.subi %sign3A_9, %sign3A_12 : i32
    %ne3A = arith.cmpi ne, %sign3A_6, %sign3A_13 : i32
    %rem3A = arith.remsi %add3A, %jit3A : i32
    %ne3A_14 = arith.constant 0 : i32
    %ne3A_15 = arith.cmpi ne, %rem3A, %ne3A_14 : i32
    %and3A = arith.andi %ne3A, %ne3A_15 : i1
    %sub3A = arith.constant 1 : i32
    %sub3A_16 = arith.subi %div3A, %sub3A : i32
    %select_n3A = arith.select %and3A, %sub3A_16, %div3A : i32
    %jit3A_17 = arith.constant 8 : i32
    %eq3A = arith.constant 0 : i32
    %eq3A_18 = arith.cmpi eq, %jit3A_17, %eq3A : i32
    %jit3A_19 = arith.constant 1 : i32
    %select_n3A_20 = arith.select %eq3A_18, %jit3A_19, %jit3A_17 : i32
    %rem3A_21 = arith.remsi %add3A, %select_n3A_20 : i32
    %ne3A_22 = arith.constant 0 : i32
    %ne3A_23 = arith.cmpi ne, %rem3A_21, %ne3A_22 : i32
    %lt3A = arith.constant 0 : i32
    %lt3A_24 = arith.cmpi slt, %rem3A_21, %lt3A : i32
    %lt3A_25 = arith.constant 0 : i32
    %lt3A_26 = arith.cmpi slt, %select_n3A_20, %lt3A_25 : i32
    %ne3A_27 = arith.xori %lt3A_24, %lt3A_26 : i1
    %and3A_28 = arith.andi %ne3A_27, %ne3A_23 : i1
    %add3A_29 = arith.addi %rem3A_21, %select_n3A_20 : i32
    %select_n3A_30 = arith.select %and3A_28, %add3A_29, %rem3A_21 : i32
    %mul3A_31 = arith.constant 2048 : i32
    %mul3A_32 = arith.muli %select_n3A_30, %mul3A_31 : i32
    "tpu.region"() ({
      %run_scoped3A = tpu.sem_alloc : memref<!tpu.dma_semaphore, #tpu.memory_space<semaphore_mem>>
      %dma_start3A_394 = tpu.memref_slice %arg2[%select_n3A, %mul3A_32] : memref<4x16384xi32, #tpu.memory_space<hbm>> -> memref<1x2048xi32, #tpu.memory_space<hbm>>
      %dma_start3A_395 = tpu.memref_squeeze %dma_start3A_394 : memref<1x2048xi32, #tpu.memory_space<hbm>> -> memref<2048xi32, #tpu.memory_space<hbm>>
      %dma_start3A_396 = tpu.memref_slice %arg2[%select_n3A, %mul3A_32] : memref<4x16384xi32, #tpu.memory_space<hbm>> -> memref<1x2048xi32, #tpu.memory_space<hbm>>
      %dma_start3A_397 = tpu.memref_squeeze %dma_start3A_396 : memref<1x2048xi32, #tpu.memory_space<hbm>> -> memref<2048xi32, #tpu.memory_space<hbm>>
      tpu.enqueue_dma source(%dma_start3A_397 : memref<2048xi32, #tpu.memory_space<hbm>>) target(%arg4 : memref<2048xi32, #tpu.memory_space<vmem>>) target_semaphore(%run_scoped3A : memref<!tpu.dma_semaphore, #tpu.memory_space<semaphore_mem>>)
      %dma_wait3A_398 = tpu.memref_slice %arg2[%select_n3A, %mul3A_32] : memref<4x16384xi32, #tpu.memory_space<hbm>> -> memref<1x2048xi32, #tpu.memory_space<hbm>>
      %dma_wait3A_399 = tpu.memref_squeeze %dma_wait3A_398 : memref<1x2048xi32, #tpu.memory_space<hbm>> -> memref<2048xi32, #tpu.memory_space<hbm>>
      %dma_wait3A_400 = tpu.memref_slice %arg2[%select_n3A, %mul3A_32] : memref<4x16384xi32, #tpu.memory_space<hbm>> -> memref<1x2048xi32, #tpu.memory_space<hbm>>
      %dma_wait3A_401 = tpu.memref_squeeze %dma_wait3A_400 : memref<1x2048xi32, #tpu.memory_space<hbm>> -> memref<2048xi32, #tpu.memory_space<hbm>>
      tpu.wait_dma2 semaphore(%run_scoped3A : memref<!tpu.dma_semaphore, #tpu.memory_space<semaphore_mem>>) src(%dma_wait3A_401 : memref<2048xi32, #tpu.memory_space<hbm>>) dst(%arg4 : memref<2048xi32, #tpu.memory_space<vmem>>)
      tpu.yield
    }) : () -> ()
    %mul3A_33 = arith.constant 64 : i32
    %mul3A_34 = arith.muli %select_n3A, %mul3A_33 : i32
    %iota3A = tpu.iota {dimensions = array<i32: 0>} : vector<16xi32>
    %jit3A_35 = arith.constant 2 : i32
    %eq3A_36 = arith.constant 0 : i32
    %eq3A_37 = arith.cmpi eq, %jit3A_35, %eq3A_36 : i32
    %jit3A_38 = arith.constant 1 : i32
    %select_n3A_39 = arith.select %eq3A_37, %jit3A_38, %jit3A_35 : i32
    %rem3A_40 = vector.broadcast %select_n3A_39 : i32 to vector<16xi32>
    %rem3A_41 = arith.remsi %iota3A, %rem3A_40 : vector<16xi32>
    %ne3A_42 = arith.constant 0 : i32
    %ne3A_43 = vector.broadcast %ne3A_42 : i32 to vector<16xi32>
    %ne3A_44 = arith.cmpi ne, %rem3A_41, %ne3A_43 : vector<16xi32>
    %lt3A_45 = arith.constant 0 : i32
    %lt3A_46 = vector.broadcast %lt3A_45 : i32 to vector<16xi32>
    %lt3A_47 = arith.cmpi slt, %rem3A_41, %lt3A_46 : vector<16xi32>
    %lt3A_48 = arith.constant 0 : i32
    %lt3A_49 = arith.cmpi slt, %select_n3A_39, %lt3A_48 : i32
    %ne3A_50 = vector.broadcast %lt3A_49 : i1 to vector<16xi1>
    %ne3A_51 = vector.broadcast %ne3A_50 : vector<16xi1> to vector<16xi1>
    %ne3A_52 = arith.xori %lt3A_47, %ne3A_51 : vector<16xi1>
    %and3A_53 = arith.andi %ne3A_52, %ne3A_44 : vector<16xi1>
    %add3A_54 = vector.broadcast %select_n3A_39 : i32 to vector<16xi32>
    %add3A_55 = arith.addi %rem3A_41, %add3A_54 : vector<16xi32>
    %select_n3A_56 = arith.select %and3A_53, %add3A_55, %rem3A_41 : vector<16xi1>, vector<16xi32>
    %eq3A_57 = arith.constant 1 : i32
    %eq3A_58 = vector.broadcast %eq3A_57 : i32 to vector<16xi32>
    %eq3A_59 = arith.cmpi eq, %select_n3A_56, %eq3A_58 : vector<16xi32>
    %xor3A = arith.constant 1 : i32
    %xor3A_60 = vector.broadcast %xor3A : i32 to vector<16xi32>
    %xor3A_61 = arith.xori %iota3A, %xor3A_60 : vector<16xi32>
    %scan3A = arith.constant 0 : i32
    %scan3A_62 = arith.constant 0 : i32
    %scan3A_63 = arith.constant 16 : i32
    %scan3A_64 = arith.addi %scan3A_62, %scan3A_63 : i32
    %scan3A_65 = arith.constant 1 : i32
    scf.for %scan3A_394 = %scan3A_62 to %scan3A_64 step %scan3A_65  : i32 {
      %mul3A_395 = arith.constant 128 : i32
      %mul3A_396 = arith.muli %scan3A_394, %mul3A_395 : i32
      %add3A_397 = arith.constant 0 : i32
      %add3A_398 = arith.addi %mul3A_396, %add3A_397 : i32
      %get3A = arith.index_cast %add3A_398 : i32 to index
      %get3A_399 = tpu.vector_load %arg4[%get3A] {strides = array<i32>} : memref<2048xi32, #tpu.memory_space<vmem>>, vector<16xi32>,
      %get3A_400 = vector.shape_cast %get3A_399 : vector<16xi32> to vector<16xi32>
      %broadcast_in_dim3A = vector.shape_cast %xor3A_61 : vector<16xi32> to vector<16x1xi32>
      %gather3A = vector.shape_cast %broadcast_in_dim3A : vector<16x1xi32> to vector<16xi32>
      %gather3A_401 = tpu.dynamic_gather %get3A_400[%gather3A] in [0] : vector<16xi32>, vector<16xi32> -> vector<16xi32>
      %eq3A_402 = arith.cmpi eq, %get3A_400, %gather3A_401 : vector<16xi32>
      %and3A_403 = arith.andi %eq3A_59, %eq3A_402 : vector<16xi1>
      %add3A_404 = vector.broadcast %mul3A_34 : i32 to vector<16xi32>
      %add3A_405 = arith.addi %get3A_400, %add3A_404 : vector<16xi32>
      %swap3A = arith.index_cast %scan3A_394 : i32 to index
      %swap3A_406 = arith.constant 0 : index
      %swap3A_407 = tpu.vector_load %arg5[%swap3A, %swap3A_406] {strides = array<i32>} : memref<16x128xi32, #tpu.memory_space<vmem>>, vector<1x16xi32>,
      %swap3A_408 = vector.shape_cast %swap3A_407 : vector<1x16xi32> to vector<16xi32>
      %swap3A_409 = vector.shape_cast %add3A_405 : vector<16xi32> to vector<1x16xi32>
      tpu.vector_store %arg5[%swap3A, %swap3A_406], %swap3A_409 {strides = array<i32>} : memref<16x128xi32, #tpu.memory_space<vmem>>, vector<1x16xi32>,
      %jit3A_410 = arith.constant 0.000000e+00 : f32
      %jit3A_411 = arith.constant 1.000000e+00 : f32
      %broadcast_in_dim3A_412 = vector.broadcast %jit3A_410 : f32 to vector<16xf32>
      %broadcast_in_dim3A_413 = vector.broadcast %jit3A_411 : f32 to vector<16xf32>
      %select_n3A_414 = arith.select %and3A_403, %broadcast_in_dim3A_412, %broadcast_in_dim3A_413 : vector<16xi1>, vector<16xf32>
      %swap3A_415 = arith.index_cast %scan3A_394 : i32 to index
      %swap3A_416 = arith.constant 0 : index
      %swap3A_417 = tpu.vector_load %arg6[%swap3A_415, %swap3A_416] {strides = array<i32>} : memref<16x128xf32, #tpu.memory_space<vmem>>, vector<1x16xf32>,
      %swap3A_418 = vector.shape_cast %swap3A_417 : vector<1x16xf32> to vector<16xf32>
      %swap3A_419 = vector.shape_cast %select_n3A_414 : vector<16xf32> to vector<1x16xf32>
      tpu.vector_store %arg6[%swap3A_415, %swap3A_416], %swap3A_419 {strides = array<i32>} : memref<16x128xf32, #tpu.memory_space<vmem>>, vector<1x16xf32>,
      %mul3A_420 = arith.constant 128 : i32
      %mul3A_421 = arith.muli %scan3A_394, %mul3A_420 : i32
      %add3A_422 = arith.constant 16 : i32
      %add3A_423 = arith.addi %mul3A_421, %add3A_422 : i32
      %get3A_424 = arith.index_cast %add3A_423 : i32 to index
      %get3A_425 = tpu.vector_load %arg4[%get3A_424] {strides = array<i32>} : memref<2048xi32, #tpu.memory_space<vmem>>, vector<16xi32>,
      %get3A_426 = vector.shape_cast %get3A_425 : vector<16xi32> to vector<16xi32>
      %broadcast_in_dim3A_427 = vector.shape_cast %xor3A_61 : vector<16xi32> to vector<16x1xi32>
      %gather3A_428 = vector.shape_cast %broadcast_in_dim3A_427 : vector<16x1xi32> to vector<16xi32>
      %gather3A_429 = tpu.dynamic_gather %get3A_426[%gather3A_428] in [0] : vector<16xi32>, vector<16xi32> -> vector<16xi32>
      %eq3A_430 = arith.cmpi eq, %get3A_426, %gather3A_429 : vector<16xi32>
      %and3A_431 = arith.andi %eq3A_59, %eq3A_430 : vector<16xi1>
      %add3A_432 = vector.broadcast %mul3A_34 : i32 to vector<16xi32>
      %add3A_433 = arith.addi %get3A_426, %add3A_432 : vector<16xi32>
      %swap3A_434 = arith.index_cast %scan3A_394 : i32 to index
      %swap3A_435 = arith.constant 16 : index
      %swap3A_436 = tpu.vector_load %arg5[%swap3A_434, %swap3A_435] {strides = array<i32>} : memref<16x128xi32, #tpu.memory_space<vmem>>, vector<1x16xi32>,
      %swap3A_437 = vector.shape_cast %swap3A_436 : vector<1x16xi32> to vector<16xi32>
      %swap3A_438 = vector.shape_cast %add3A_433 : vector<16xi32> to vector<1x16xi32>
      tpu.vector_store %arg5[%swap3A_434, %swap3A_435], %swap3A_438 {strides = array<i32>} : memref<16x128xi32, #tpu.memory_space<vmem>>, vector<1x16xi32>,
      %jit3A_439 = arith.constant 0.000000e+00 : f32
      %jit3A_440 = arith.constant 1.000000e+00 : f32
      %broadcast_in_dim3A_441 = vector.broadcast %jit3A_439 : f32 to vector<16xf32>
      %broadcast_in_dim3A_442 = vector.broadcast %jit3A_440 : f32 to vector<16xf32>
      %select_n3A_443 = arith.select %and3A_431, %broadcast_in_dim3A_441, %broadcast_in_dim3A_442 : vector<16xi1>, vector<16xf32>
      %swap3A_444 = arith.index_cast %scan3A_394 : i32 to index
      %swap3A_445 = arith.constant 16 : index
      %swap3A_446 = tpu.vector_load %arg6[%swap3A_444, %swap3A_445] {strides = array<i32>} : memref<16x128xf32, #tpu.memory_space<vmem>>, vector<1x16xf32>,
      %swap3A_447 = vector.shape_cast %swap3A_446 : vector<1x16xf32> to vector<16xf32>
      %swap3A_448 = vector.shape_cast %select_n3A_443 : vector<16xf32> to vector<1x16xf32>
      tpu.vector_store %arg6[%swap3A_444, %swap3A_445], %swap3A_448 {strides = array<i32>} : memref<16x128xf32, #tpu.memory_space<vmem>>, vector<1x16xf32>,
      %mul3A_449 = arith.constant 128 : i32
      %mul3A_450 = arith.muli %scan3A_394, %mul3A_449 : i32
      %add3A_451 = arith.constant 32 : i32
      %add3A_452 = arith.addi %mul3A_450, %add3A_451 : i32
      %get3A_453 = arith.index_cast %add3A_452 : i32 to index
      %get3A_454 = tpu.vector_load %arg4[%get3A_453] {strides = array<i32>} : memref<2048xi32, #tpu.memory_space<vmem>>, vector<16xi32>,
      %get3A_455 = vector.shape_cast %get3A_454 : vector<16xi32> to vector<16xi32>
      %broadcast_in_dim3A_456 = vector.shape_cast %xor3A_61 : vector<16xi32> to vector<16x1xi32>
      %gather3A_457 = vector.shape_cast %broadcast_in_dim3A_456 : vector<16x1xi32> to vector<16xi32>
      %gather3A_458 = tpu.dynamic_gather %get3A_455[%gather3A_457] in [0] : vector<16xi32>, vector<16xi32> -> vector<16xi32>
      %eq3A_459 = arith.cmpi eq, %get3A_455, %gather3A_458 : vector<16xi32>
      %and3A_460 = arith.andi %eq3A_59, %eq3A_459 : vector<16xi1>
      %add3A_461 = vector.broadcast %mul3A_34 : i32 to vector<16xi32>
      %add3A_462 = arith.addi %get3A_455, %add3A_461 : vector<16xi32>
      %swap3A_463 = arith.index_cast %scan3A_394 : i32 to index
      %swap3A_464 = arith.constant 32 : index
      %swap3A_465 = tpu.vector_load %arg5[%swap3A_463, %swap3A_464] {strides = array<i32>} : memref<16x128xi32, #tpu.memory_space<vmem>>, vector<1x16xi32>,
      %swap3A_466 = vector.shape_cast %swap3A_465 : vector<1x16xi32> to vector<16xi32>
      %swap3A_467 = vector.shape_cast %add3A_462 : vector<16xi32> to vector<1x16xi32>
      tpu.vector_store %arg5[%swap3A_463, %swap3A_464], %swap3A_467 {strides = array<i32>} : memref<16x128xi32, #tpu.memory_space<vmem>>, vector<1x16xi32>,
      %jit3A_468 = arith.constant 0.000000e+00 : f32
      %jit3A_469 = arith.constant 1.000000e+00 : f32
      %broadcast_in_dim3A_470 = vector.broadcast %jit3A_468 : f32 to vector<16xf32>
      %broadcast_in_dim3A_471 = vector.broadcast %jit3A_469 : f32 to vector<16xf32>
      %select_n3A_472 = arith.select %and3A_460, %broadcast_in_dim3A_470, %broadcast_in_dim3A_471 : vector<16xi1>, vector<16xf32>
      %swap3A_473 = arith.index_cast %scan3A_394 : i32 to index
      %swap3A_474 = arith.constant 32 : index
      %swap3A_475 = tpu.vector_load %arg6[%swap3A_473, %swap3A_474] {strides = array<i32>} : memref<16x128xf32, #tpu.memory_space<vmem>>, vector<1x16xf32>,
      %swap3A_476 = vector.shape_cast %swap3A_475 : vector<1x16xf32> to vector<16xf32>
      %swap3A_477 = vector.shape_cast %select_n3A_472 : vector<16xf32> to vector<1x16xf32>
      tpu.vector_store %arg6[%swap3A_473, %swap3A_474], %swap3A_477 {strides = array<i32>} : memref<16x128xf32, #tpu.memory_space<vmem>>, vector<1x16xf32>,
      %mul3A_478 = arith.constant 128 : i32
      %mul3A_479 = arith.muli %scan3A_394, %mul3A_478 : i32
      %add3A_480 = arith.constant 48 : i32
      %add3A_481 = arith.addi %mul3A_479, %add3A_480 : i32
      %get3A_482 = arith.index_cast %add3A_481 : i32 to index
      %get3A_483 = tpu.vector_load %arg4[%get3A_482] {strides = array<i32>} : memref<2048xi32, #tpu.memory_space<vmem>>, vector<16xi32>,
      %get3A_484 = vector.shape_cast %get3A_483 : vector<16xi32> to vector<16xi32>
      %broadcast_in_dim3A_485 = vector.shape_cast %xor3A_61 : vector<16xi32> to vector<16x1xi32>
      %gather3A_486 = vector.shape_cast %broadcast_in_dim3A_485 : vector<16x1xi32> to vector<16xi32>
      %gather3A_487 = tpu.dynamic_gather %get3A_484[%gather3A_486] in [0] : vector<16xi32>, vector<16xi32> -> vector<16xi32>
      %eq3A_488 = arith.cmpi eq, %get3A_484, %gather3A_487 : vector<16xi32>
      %and3A_489 = arith.andi %eq3A_59, %eq3A_488 : vector<16xi1>
      %add3A_490 = vector.broadcast %mul3A_34 : i32 to vector<16xi32>
      %add3A_491 = arith.addi %get3A_484, %add3A_490 : vector<16xi32>
      %swap3A_492 = arith.index_cast %scan3A_394 : i32 to index
      %swap3A_493 = arith.constant 48 : index
      %swap3A_494 = tpu.vector_load %arg5[%swap3A_492, %swap3A_493] {strides = array<i32>} : memref<16x128xi32, #tpu.memory_space<vmem>>, vector<1x16xi32>,
      %swap3A_495 = vector.shape_cast %swap3A_494 : vector<1x16xi32> to vector<16xi32>
      %swap3A_496 = vector.shape_cast %add3A_491 : vector<16xi32> to vector<1x16xi32>
      tpu.vector_store %arg5[%swap3A_492, %swap3A_493], %swap3A_496 {strides = array<i32>} : memref<16x128xi32, #tpu.memory_space<vmem>>, vector<1x16xi32>,
      %jit3A_497 = arith.constant 0.000000e+00 : f32
      %jit3A_498 = arith.constant 1.000000e+00 : f32
      %broadcast_in_dim3A_499 = vector.broadcast %jit3A_497 : f32 to vector<16xf32>
      %broadcast_in_dim3A_500 = vector.broadcast %jit3A_498 : f32 to vector<16xf32>
      %select_n3A_501 = arith.select %and3A_489, %broadcast_in_dim3A_499, %broadcast_in_dim3A_500 : vector<16xi1>, vector<16xf32>
      %swap3A_502 = arith.index_cast %scan3A_394 : i32 to index
      %swap3A_503 = arith.constant 48 : index
      %swap3A_504 = tpu.vector_load %arg6[%swap3A_502, %swap3A_503] {strides = array<i32>} : memref<16x128xf32, #tpu.memory_space<vmem>>, vector<1x16xf32>,
      %swap3A_505 = vector.shape_cast %swap3A_504 : vector<1x16xf32> to vector<16xf32>
      %swap3A_506 = vector.shape_cast %select_n3A_501 : vector<16xf32> to vector<1x16xf32>
      tpu.vector_store %arg6[%swap3A_502, %swap3A_503], %swap3A_506 {strides = array<i32>} : memref<16x128xf32, #tpu.memory_space<vmem>>, vector<1x16xf32>,
      %mul3A_507 = arith.constant 128 : i32
      %mul3A_508 = arith.muli %scan3A_394, %mul3A_507 : i32
      %add3A_509 = arith.constant 64 : i32
      %add3A_510 = arith.addi %mul3A_508, %add3A_509 : i32
      %get3A_511 = arith.index_cast %add3A_510 : i32 to index
      %get3A_512 = tpu.vector_load %arg4[%get3A_511] {strides = array<i32>} : memref<2048xi32, #tpu.memory_space<vmem>>, vector<16xi32>,
      %get3A_513 = vector.shape_cast %get3A_512 : vector<16xi32> to vector<16xi32>
      %broadcast_in_dim3A_514 = vector.shape_cast %xor3A_61 : vector<16xi32> to vector<16x1xi32>
      %gather3A_515 = vector.shape_cast %broadcast_in_dim3A_514 : vector<16x1xi32> to vector<16xi32>
      %gather3A_516 = tpu.dynamic_gather %get3A_513[%gather3A_515] in [0] : vector<16xi32>, vector<16xi32> -> vector<16xi32>
      %eq3A_517 = arith.cmpi eq, %get3A_513, %gather3A_516 : vector<16xi32>
      %and3A_518 = arith.andi %eq3A_59, %eq3A_517 : vector<16xi1>
      %add3A_519 = vector.broadcast %mul3A_34 : i32 to vector<16xi32>
      %add3A_520 = arith.addi %get3A_513, %add3A_519 : vector<16xi32>
      %swap3A_521 = arith.index_cast %scan3A_394 : i32 to index
      %swap3A_522 = arith.constant 64 : index
      %swap3A_523 = tpu.vector_load %arg5[%swap3A_521, %swap3A_522] {strides = array<i32>} : memref<16x128xi32, #tpu.memory_space<vmem>>, vector<1x16xi32>,
      %swap3A_524 = vector.shape_cast %swap3A_523 : vector<1x16xi32> to vector<16xi32>
      %swap3A_525 = vector.shape_cast %add3A_520 : vector<16xi32> to vector<1x16xi32>
      tpu.vector_store %arg5[%swap3A_521, %swap3A_522], %swap3A_525 {strides = array<i32>} : memref<16x128xi32, #tpu.memory_space<vmem>>, vector<1x16xi32>,
      %jit3A_526 = arith.constant 0.000000e+00 : f32
      %jit3A_527 = arith.constant 1.000000e+00 : f32
      %broadcast_in_dim3A_528 = vector.broadcast %jit3A_526 : f32 to vector<16xf32>
      %broadcast_in_dim3A_529 = vector.broadcast %jit3A_527 : f32 to vector<16xf32>
      %select_n3A_530 = arith.select %and3A_518, %broadcast_in_dim3A_528, %broadcast_in_dim3A_529 : vector<16xi1>, vector<16xf32>
      %swap3A_531 = arith.index_cast %scan3A_394 : i32 to index
      %swap3A_532 = arith.constant 64 : index
      %swap3A_533 = tpu.vector_load %arg6[%swap3A_531, %swap3A_532] {strides = array<i32>} : memref<16x128xf32, #tpu.memory_space<vmem>>, vector<1x16xf32>,
      %swap3A_534 = vector.shape_cast %swap3A_533 : vector<1x16xf32> to vector<16xf32>
      %swap3A_535 = vector.shape_cast %select_n3A_530 : vector<16xf32> to vector<1x16xf32>
      tpu.vector_store %arg6[%swap3A_531, %swap3A_532], %swap3A_535 {strides = array<i32>} : memref<16x128xf32, #tpu.memory_space<vmem>>, vector<1x16xf32>,
      %mul3A_536 = arith.constant 128 : i32
      %mul3A_537 = arith.muli %scan3A_394, %mul3A_536 : i32
      %add3A_538 = arith.constant 80 : i32
      %add3A_539 = arith.addi %mul3A_537, %add3A_538 : i32
      %get3A_540 = arith.index_cast %add3A_539 : i32 to index
      %get3A_541 = tpu.vector_load %arg4[%get3A_540] {strides = array<i32>} : memref<2048xi32, #tpu.memory_space<vmem>>, vector<16xi32>,
      %get3A_542 = vector.shape_cast %get3A_541 : vector<16xi32> to vector<16xi32>
      %broadcast_in_dim3A_543 = vector.shape_cast %xor3A_61 : vector<16xi32> to vector<16x1xi32>
      %gather3A_544 = vector.shape_cast %broadcast_in_dim3A_543 : vector<16x1xi32> to vector<16xi32>
      %gather3A_545 = tpu.dynamic_gather %get3A_542[%gather3A_544] in [0] : vector<16xi32>, vector<16xi32> -> vector<16xi32>
      %eq3A_546 = arith.cmpi eq, %get3A_542, %gather3A_545 : vector<16xi32>
      %and3A_547 = arith.andi %eq3A_59, %eq3A_546 : vector<16xi1>
      %add3A_548 = vector.broadcast %mul3A_34 : i32 to vector<16xi32>
      %add3A_549 = arith.addi %get3A_542, %add3A_548 : vector<16xi32>
      %swap3A_550 = arith.index_cast %scan3A_394 : i32 to index
      %swap3A_551 = arith.constant 80 : index
      %swap3A_552 = tpu.vector_load %arg5[%swap3A_550, %swap3A_551] {strides = array<i32>} : memref<16x128xi32, #tpu.memory_space<vmem>>, vector<1x16xi32>,
      %swap3A_553 = vector.shape_cast %swap3A_552 : vector<1x16xi32> to vector<16xi32>
      %swap3A_554 = vector.shape_cast %add3A_549 : vector<16xi32> to vector<1x16xi32>
      tpu.vector_store %arg5[%swap3A_550, %swap3A_551], %swap3A_554 {strides = array<i32>} : memref<16x128xi32, #tpu.memory_space<vmem>>, vector<1x16xi32>,
      %jit3A_555 = arith.constant 0.000000e+00 : f32
      %jit3A_556 = arith.constant 1.000000e+00 : f32
      %broadcast_in_dim3A_557 = vector.broadcast %jit3A_555 : f32 to vector<16xf32>
      %broadcast_in_dim3A_558 = vector.broadcast %jit3A_556 : f32 to vector<16xf32>
      %select_n3A_559 = arith.select %and3A_547, %broadcast_in_dim3A_557, %broadcast_in_dim3A_558 : vector<16xi1>, vector<16xf32>
      %swap3A_560 = arith.index_cast %scan3A_394 : i32 to index
      %swap3A_561 = arith.constant 80 : index
      %swap3A_562 = tpu.vector_load %arg6[%swap3A_560, %swap3A_561] {strides = array<i32>} : memref<16x128xf32, #tpu.memory_space<vmem>>, vector<1x16xf32>,
      %swap3A_563 = vector.shape_cast %swap3A_562 : vector<1x16xf32> to vector<16xf32>
      %swap3A_564 = vector.shape_cast %select_n3A_559 : vector<16xf32> to vector<1x16xf32>
      tpu.vector_store %arg6[%swap3A_560, %swap3A_561], %swap3A_564 {strides = array<i32>} : memref<16x128xf32, #tpu.memory_space<vmem>>, vector<1x16xf32>,
      %mul3A_565 = arith.constant 128 : i32
      %mul3A_566 = arith.muli %scan3A_394, %mul3A_565 : i32
      %add3A_567 = arith.constant 96 : i32
      %add3A_568 = arith.addi %mul3A_566, %add3A_567 : i32
      %get3A_569 = arith.index_cast %add3A_568 : i32 to index
      %get3A_570 = tpu.vector_load %arg4[%get3A_569] {strides = array<i32>} : memref<2048xi32, #tpu.memory_space<vmem>>, vector<16xi32>,
      %get3A_571 = vector.shape_cast %get3A_570 : vector<16xi32> to vector<16xi32>
      %broadcast_in_dim3A_572 = vector.shape_cast %xor3A_61 : vector<16xi32> to vector<16x1xi32>
      %gather3A_573 = vector.shape_cast %broadcast_in_dim3A_572 : vector<16x1xi32> to vector<16xi32>
      %gather3A_574 = tpu.dynamic_gather %get3A_571[%gather3A_573] in [0] : vector<16xi32>, vector<16xi32> -> vector<16xi32>
      %eq3A_575 = arith.cmpi eq, %get3A_571, %gather3A_574 : vector<16xi32>
      %and3A_576 = arith.andi %eq3A_59, %eq3A_575 : vector<16xi1>
      %add3A_577 = vector.broadcast %mul3A_34 : i32 to vector<16xi32>
      %add3A_578 = arith.addi %get3A_571, %add3A_577 : vector<16xi32>
      %swap3A_579 = arith.index_cast %scan3A_394 : i32 to index
      %swap3A_580 = arith.constant 96 : index
      %swap3A_581 = tpu.vector_load %arg5[%swap3A_579, %swap3A_580] {strides = array<i32>} : memref<16x128xi32, #tpu.memory_space<vmem>>, vector<1x16xi32>,
      %swap3A_582 = vector.shape_cast %swap3A_581 : vector<1x16xi32> to vector<16xi32>
      %swap3A_583 = vector.shape_cast %add3A_578 : vector<16xi32> to vector<1x16xi32>
      tpu.vector_store %arg5[%swap3A_579, %swap3A_580], %swap3A_583 {strides = array<i32>} : memref<16x128xi32, #tpu.memory_space<vmem>>, vector<1x16xi32>,
      %jit3A_584 = arith.constant 0.000000e+00 : f32
      %jit3A_585 = arith.constant 1.000000e+00 : f32
      %broadcast_in_dim3A_586 = vector.broadcast %jit3A_584 : f32 to vector<16xf32>
      %broadcast_in_dim3A_587 = vector.broadcast %jit3A_585 : f32 to vector<16xf32>
      %select_n3A_588 = arith.select %and3A_576, %broadcast_in_dim3A_586, %broadcast_in_dim3A_587 : vector<16xi1>, vector<16xf32>
      %swap3A_589 = arith.index_cast %scan3A_394 : i32 to index
      %swap3A_590 = arith.constant 96 : index
      %swap3A_591 = tpu.vector_load %arg6[%swap3A_589, %swap3A_590] {strides = array<i32>} : memref<16x128xf32, #tpu.memory_space<vmem>>, vector<1x16xf32>,
      %swap3A_592 = vector.shape_cast %swap3A_591 : vector<1x16xf32> to vector<16xf32>
      %swap3A_593 = vector.shape_cast %select_n3A_588 : vector<16xf32> to vector<1x16xf32>
      tpu.vector_store %arg6[%swap3A_589, %swap3A_590], %swap3A_593 {strides = array<i32>} : memref<16x128xf32, #tpu.memory_space<vmem>>, vector<1x16xf32>,
      %mul3A_594 = arith.constant 128 : i32
      %mul3A_595 = arith.muli %scan3A_394, %mul3A_594 : i32
      %add3A_596 = arith.constant 112 : i32
      %add3A_597 = arith.addi %mul3A_595, %add3A_596 : i32
      %get3A_598 = arith.index_cast %add3A_597 : i32 to index
      %get3A_599 = tpu.vector_load %arg4[%get3A_598] {strides = array<i32>} : memref<2048xi32, #tpu.memory_space<vmem>>, vector<16xi32>,
      %get3A_600 = vector.shape_cast %get3A_599 : vector<16xi32> to vector<16xi32>
      %broadcast_in_dim3A_601 = vector.shape_cast %xor3A_61 : vector<16xi32> to vector<16x1xi32>
      %gather3A_602 = vector.shape_cast %broadcast_in_dim3A_601 : vector<16x1xi32> to vector<16xi32>
      %gather3A_603 = tpu.dynamic_gather %get3A_600[%gather3A_602] in [0] : vector<16xi32>, vector<16xi32> -> vector<16xi32>
      %eq3A_604 = arith.cmpi eq, %get3A_600, %gather3A_603 : vector<16xi32>
      %and3A_605 = arith.andi %eq3A_59, %eq3A_604 : vector<16xi1>
      %add3A_606 = vector.broadcast %mul3A_34 : i32 to vector<16xi32>
      %add3A_607 = arith.addi %get3A_600, %add3A_606 : vector<16xi32>
      %swap3A_608 = arith.index_cast %scan3A_394 : i32 to index
      %swap3A_609 = arith.constant 112 : index
      %swap3A_610 = tpu.vector_load %arg5[%swap3A_608, %swap3A_609] {strides = array<i32>} : memref<16x128xi32, #tpu.memory_space<vmem>>, vector<1x16xi32>,
      %swap3A_611 = vector.shape_cast %swap3A_610 : vector<1x16xi32> to vector<16xi32>
      %swap3A_612 = vector.shape_cast %add3A_607 : vector<16xi32> to vector<1x16xi32>
      tpu.vector_store %arg5[%swap3A_608, %swap3A_609], %swap3A_612 {strides = array<i32>} : memref<16x128xi32, #tpu.memory_space<vmem>>, vector<1x16xi32>,
      %jit3A_613 = arith.constant 0.000000e+00 : f32
      %jit3A_614 = arith.constant 1.000000e+00 : f32
      %broadcast_in_dim3A_615 = vector.broadcast %jit3A_613 : f32 to vector<16xf32>
      %broadcast_in_dim3A_616 = vector.broadcast %jit3A_614 : f32 to vector<16xf32>
      %select_n3A_617 = arith.select %and3A_605, %broadcast_in_dim3A_615, %broadcast_in_dim3A_616 : vector<16xi1>, vector<16xf32>
      %swap3A_618 = arith.index_cast %scan3A_394 : i32 to index
      %swap3A_619 = arith.constant 112 : index
      %swap3A_620 = tpu.vector_load %arg6[%swap3A_618, %swap3A_619] {strides = array<i32>} : memref<16x128xf32, #tpu.memory_space<vmem>>, vector<1x16xf32>,
      %swap3A_621 = vector.shape_cast %swap3A_620 : vector<1x16xf32> to vector<16xf32>
      %swap3A_622 = vector.shape_cast %select_n3A_617 : vector<16xf32> to vector<1x16xf32>
      tpu.vector_store %arg6[%swap3A_618, %swap3A_619], %swap3A_622 {strides = array<i32>} : memref<16x128xf32, #tpu.memory_space<vmem>>, vector<1x16xf32>,
    }
    %scan3A_66 = arith.constant 16 : i32
    %eq3A_67 = arith.constant 0 : i32
    %eq3A_68 = arith.cmpi eq, %arg1, %eq3A_67 : i32
    %convert_element_type3A = arith.extui %eq3A_68 : i1 to i32
    %cond3A = arith.constant 0 : i32
    %cond3A_69 = arith.cmpi ne, %convert_element_type3A, %cond3A : i32
    scf.if %cond3A_69 {
      %broadcast_in_dim3A = arith.constant 0.000000e+00 : f32
      %broadcast_in_dim3A_394 = vector.broadcast %broadcast_in_dim3A : f32 to vector<16xf32>
      %swap3A = arith.constant 0 : index
      %swap3A_395 = tpu.vector_load %arg7[%swap3A] {strides = array<i32>} : memref<256xf32, #tpu.memory_space<vmem>>, vector<16xf32>,
      %swap3A_396 = vector.shape_cast %swap3A_395 : vector<16xf32> to vector<16xf32>
      %swap3A_397 = vector.shape_cast %broadcast_in_dim3A_394 : vector<16xf32> to vector<16xf32>
      tpu.vector_store %arg7[%swap3A], %swap3A_397 {strides = array<i32>} : memref<256xf32, #tpu.memory_space<vmem>>, vector<16xf32>,
      %broadcast_in_dim3A_398 = arith.constant 0.000000e+00 : f32
      %broadcast_in_dim3A_399 = vector.broadcast %broadcast_in_dim3A_398 : f32 to vector<16xf32>
      %swap3A_400 = arith.constant 16 : index
      %swap3A_401 = tpu.vector_load %arg7[%swap3A_400] {strides = array<i32>} : memref<256xf32, #tpu.memory_space<vmem>>, vector<16xf32>,
      %swap3A_402 = vector.shape_cast %swap3A_401 : vector<16xf32> to vector<16xf32>
      %swap3A_403 = vector.shape_cast %broadcast_in_dim3A_399 : vector<16xf32> to vector<16xf32>
      tpu.vector_store %arg7[%swap3A_400], %swap3A_403 {strides = array<i32>} : memref<256xf32, #tpu.memory_space<vmem>>, vector<16xf32>,
      %broadcast_in_dim3A_404 = arith.constant 0.000000e+00 : f32
      %broadcast_in_dim3A_405 = vector.broadcast %broadcast_in_dim3A_404 : f32 to vector<16xf32>
      %swap3A_406 = arith.constant 32 : index
      %swap3A_407 = tpu.vector_load %arg7[%swap3A_406] {strides = array<i32>} : memref<256xf32, #tpu.memory_space<vmem>>, vector<16xf32>,
      %swap3A_408 = vector.shape_cast %swap3A_407 : vector<16xf32> to vector<16xf32>
      %swap3A_409 = vector.shape_cast %broadcast_in_dim3A_405 : vector<16xf32> to vector<16xf32>
      tpu.vector_store %arg7[%swap3A_406], %swap3A_409 {strides = array<i32>} : memref<256xf32, #tpu.memory_space<vmem>>, vector<16xf32>,
      %broadcast_in_dim3A_410 = arith.constant 0.000000e+00 : f32
      %broadcast_in_dim3A_411 = vector.broadcast %broadcast_in_dim3A_410 : f32 to vector<16xf32>
      %swap3A_412 = arith.constant 48 : index
      %swap3A_413 = tpu.vector_load %arg7[%swap3A_412] {strides = array<i32>} : memref<256xf32, #tpu.memory_space<vmem>>, vector<16xf32>,
      %swap3A_414 = vector.shape_cast %swap3A_413 : vector<16xf32> to vector<16xf32>
      %swap3A_415 = vector.shape_cast %broadcast_in_dim3A_411 : vector<16xf32> to vector<16xf32>
      tpu.vector_store %arg7[%swap3A_412], %swap3A_415 {strides = array<i32>} : memref<256xf32, #tpu.memory_space<vmem>>, vector<16xf32>,
      %broadcast_in_dim3A_416 = arith.constant 0.000000e+00 : f32
      %broadcast_in_dim3A_417 = vector.broadcast %broadcast_in_dim3A_416 : f32 to vector<16xf32>
      %swap3A_418 = arith.constant 64 : index
      %swap3A_419 = tpu.vector_load %arg7[%swap3A_418] {strides = array<i32>} : memref<256xf32, #tpu.memory_space<vmem>>, vector<16xf32>,
      %swap3A_420 = vector.shape_cast %swap3A_419 : vector<16xf32> to vector<16xf32>
      %swap3A_421 = vector.shape_cast %broadcast_in_dim3A_417 : vector<16xf32> to vector<16xf32>
      tpu.vector_store %arg7[%swap3A_418], %swap3A_421 {strides = array<i32>} : memref<256xf32, #tpu.memory_space<vmem>>, vector<16xf32>,
      %broadcast_in_dim3A_422 = arith.constant 0.000000e+00 : f32
      %broadcast_in_dim3A_423 = vector.broadcast %broadcast_in_dim3A_422 : f32 to vector<16xf32>
      %swap3A_424 = arith.constant 80 : index
      %swap3A_425 = tpu.vector_load %arg7[%swap3A_424] {strides = array<i32>} : memref<256xf32, #tpu.memory_space<vmem>>, vector<16xf32>,
      %swap3A_426 = vector.shape_cast %swap3A_425 : vector<16xf32> to vector<16xf32>
      %swap3A_427 = vector.shape_cast %broadcast_in_dim3A_423 : vector<16xf32> to vector<16xf32>
      tpu.vector_store %arg7[%swap3A_424], %swap3A_427 {strides = array<i32>} : memref<256xf32, #tpu.memory_space<vmem>>, vector<16xf32>,
      %broadcast_in_dim3A_428 = arith.constant 0.000000e+00 : f32
      %broadcast_in_dim3A_429 = vector.broadcast %broadcast_in_dim3A_428 : f32 to vector<16xf32>
      %swap3A_430 = arith.constant 96 : index
      %swap3A_431 = tpu.vector_load %arg7[%swap3A_430] {strides = array<i32>} : memref<256xf32, #tpu.memory_space<vmem>>, vector<16xf32>,
      %swap3A_432 = vector.shape_cast %swap3A_431 : vector<16xf32> to vector<16xf32>
      %swap3A_433 = vector.shape_cast %broadcast_in_dim3A_429 : vector<16xf32> to vector<16xf32>
      tpu.vector_store %arg7[%swap3A_430], %swap3A_433 {strides = array<i32>} : memref<256xf32, #tpu.memory_space<vmem>>, vector<16xf32>,
      %broadcast_in_dim3A_434 = arith.constant 0.000000e+00 : f32
      %broadcast_in_dim3A_435 = vector.broadcast %broadcast_in_dim3A_434 : f32 to vector<16xf32>
      %swap3A_436 = arith.constant 112 : index
      %swap3A_437 = tpu.vector_load %arg7[%swap3A_436] {strides = array<i32>} : memref<256xf32, #tpu.memory_space<vmem>>, vector<16xf32>,
      %swap3A_438 = vector.shape_cast %swap3A_437 : vector<16xf32> to vector<16xf32>
      %swap3A_439 = vector.shape_cast %broadcast_in_dim3A_435 : vector<16xf32> to vector<16xf32>
      tpu.vector_store %arg7[%swap3A_436], %swap3A_439 {strides = array<i32>} : memref<256xf32, #tpu.memory_space<vmem>>, vector<16xf32>,
      %broadcast_in_dim3A_440 = arith.constant 0.000000e+00 : f32
      %broadcast_in_dim3A_441 = vector.broadcast %broadcast_in_dim3A_440 : f32 to vector<16xf32>
      %swap3A_442 = arith.constant 128 : index
      %swap3A_443 = tpu.vector_load %arg7[%swap3A_442] {strides = array<i32>} : memref<256xf32, #tpu.memory_space<vmem>>, vector<16xf32>,
      %swap3A_444 = vector.shape_cast %swap3A_443 : vector<16xf32> to vector<16xf32>
      %swap3A_445 = vector.shape_cast %broadcast_in_dim3A_441 : vector<16xf32> to vector<16xf32>
      tpu.vector_store %arg7[%swap3A_442], %swap3A_445 {strides = array<i32>} : memref<256xf32, #tpu.memory_space<vmem>>, vector<16xf32>,
      %broadcast_in_dim3A_446 = arith.constant 0.000000e+00 : f32
      %broadcast_in_dim3A_447 = vector.broadcast %broadcast_in_dim3A_446 : f32 to vector<16xf32>
      %swap3A_448 = arith.constant 144 : index
      %swap3A_449 = tpu.vector_load %arg7[%swap3A_448] {strides = array<i32>} : memref<256xf32, #tpu.memory_space<vmem>>, vector<16xf32>,
      %swap3A_450 = vector.shape_cast %swap3A_449 : vector<16xf32> to vector<16xf32>
      %swap3A_451 = vector.shape_cast %broadcast_in_dim3A_447 : vector<16xf32> to vector<16xf32>
      tpu.vector_store %arg7[%swap3A_448], %swap3A_451 {strides = array<i32>} : memref<256xf32, #tpu.memory_space<vmem>>, vector<16xf32>,
      %broadcast_in_dim3A_452 = arith.constant 0.000000e+00 : f32
      %broadcast_in_dim3A_453 = vector.broadcast %broadcast_in_dim3A_452 : f32 to vector<16xf32>
      %swap3A_454 = arith.constant 160 : index
      %swap3A_455 = tpu.vector_load %arg7[%swap3A_454] {strides = array<i32>} : memref<256xf32, #tpu.memory_space<vmem>>, vector<16xf32>,
      %swap3A_456 = vector.shape_cast %swap3A_455 : vector<16xf32> to vector<16xf32>
      %swap3A_457 = vector.shape_cast %broadcast_in_dim3A_453 : vector<16xf32> to vector<16xf32>
      tpu.vector_store %arg7[%swap3A_454], %swap3A_457 {strides = array<i32>} : memref<256xf32, #tpu.memory_space<vmem>>, vector<16xf32>,
      %broadcast_in_dim3A_458 = arith.constant 0.000000e+00 : f32
      %broadcast_in_dim3A_459 = vector.broadcast %broadcast_in_dim3A_458 : f32 to vector<16xf32>
      %swap3A_460 = arith.constant 176 : index
      %swap3A_461 = tpu.vector_load %arg7[%swap3A_460] {strides = array<i32>} : memref<256xf32, #tpu.memory_space<vmem>>, vector<16xf32>,
      %swap3A_462 = vector.shape_cast %swap3A_461 : vector<16xf32> to vector<16xf32>
      %swap3A_463 = vector.shape_cast %broadcast_in_dim3A_459 : vector<16xf32> to vector<16xf32>
      tpu.vector_store %arg7[%swap3A_460], %swap3A_463 {strides = array<i32>} : memref<256xf32, #tpu.memory_space<vmem>>, vector<16xf32>,
      %broadcast_in_dim3A_464 = arith.constant 0.000000e+00 : f32
      %broadcast_in_dim3A_465 = vector.broadcast %broadcast_in_dim3A_464 : f32 to vector<16xf32>
      %swap3A_466 = arith.constant 192 : index
      %swap3A_467 = tpu.vector_load %arg7[%swap3A_466] {strides = array<i32>} : memref<256xf32, #tpu.memory_space<vmem>>, vector<16xf32>,
      %swap3A_468 = vector.shape_cast %swap3A_467 : vector<16xf32> to vector<16xf32>
      %swap3A_469 = vector.shape_cast %broadcast_in_dim3A_465 : vector<16xf32> to vector<16xf32>
      tpu.vector_store %arg7[%swap3A_466], %swap3A_469 {strides = array<i32>} : memref<256xf32, #tpu.memory_space<vmem>>, vector<16xf32>,
      %broadcast_in_dim3A_470 = arith.constant 0.000000e+00 : f32
      %broadcast_in_dim3A_471 = vector.broadcast %broadcast_in_dim3A_470 : f32 to vector<16xf32>
      %swap3A_472 = arith.constant 208 : index
      %swap3A_473 = tpu.vector_load %arg7[%swap3A_472] {strides = array<i32>} : memref<256xf32, #tpu.memory_space<vmem>>, vector<16xf32>,
      %swap3A_474 = vector.shape_cast %swap3A_473 : vector<16xf32> to vector<16xf32>
      %swap3A_475 = vector.shape_cast %broadcast_in_dim3A_471 : vector<16xf32> to vector<16xf32>
      tpu.vector_store %arg7[%swap3A_472], %swap3A_475 {strides = array<i32>} : memref<256xf32, #tpu.memory_space<vmem>>, vector<16xf32>,
      %broadcast_in_dim3A_476 = arith.constant 0.000000e+00 : f32
      %broadcast_in_dim3A_477 = vector.broadcast %broadcast_in_dim3A_476 : f32 to vector<16xf32>
      %swap3A_478 = arith.constant 224 : index
      %swap3A_479 = tpu.vector_load %arg7[%swap3A_478] {strides = array<i32>} : memref<256xf32, #tpu.memory_space<vmem>>, vector<16xf32>,
      %swap3A_480 = vector.shape_cast %swap3A_479 : vector<16xf32> to vector<16xf32>
      %swap3A_481 = vector.shape_cast %broadcast_in_dim3A_477 : vector<16xf32> to vector<16xf32>
      tpu.vector_store %arg7[%swap3A_478], %swap3A_481 {strides = array<i32>} : memref<256xf32, #tpu.memory_space<vmem>>, vector<16xf32>,
      %broadcast_in_dim3A_482 = arith.constant 0.000000e+00 : f32
      %broadcast_in_dim3A_483 = vector.broadcast %broadcast_in_dim3A_482 : f32 to vector<16xf32>
      %swap3A_484 = arith.constant 240 : index
      %swap3A_485 = tpu.vector_load %arg7[%swap3A_484] {strides = array<i32>} : memref<256xf32, #tpu.memory_space<vmem>>, vector<16xf32>,
      %swap3A_486 = vector.shape_cast %swap3A_485 : vector<16xf32> to vector<16xf32>
      %swap3A_487 = vector.shape_cast %broadcast_in_dim3A_483 : vector<16xf32> to vector<16xf32>
      tpu.vector_store %arg7[%swap3A_484], %swap3A_487 {strides = array<i32>} : memref<256xf32, #tpu.memory_space<vmem>>, vector<16xf32>,
      "tpu.region"() ({
        %run_scoped3A = tpu.sem_alloc : memref<!tpu.dma_semaphore, #tpu.memory_space<semaphore_mem>>
        tpu.enqueue_dma source(%arg7 : memref<256xf32, #tpu.memory_space<vmem>>) target(%arg8 : memref<256xf32, #tpu.memory_space<vmem_shared>>) target_semaphore(%run_scoped3A : memref<!tpu.dma_semaphore, #tpu.memory_space<semaphore_mem>>)
        tpu.wait_dma2 semaphore(%run_scoped3A : memref<!tpu.dma_semaphore, #tpu.memory_space<semaphore_mem>>) src(%arg7 : memref<256xf32, #tpu.memory_space<vmem>>) dst(%arg8 : memref<256xf32, #tpu.memory_space<vmem_shared>>)
        tpu.yield
      }) : () -> ()
    } else {
    }
    %barrier3A = arith.constant 0 : index
    tpu.barrier barrier_id(%barrier3A)
    %dma_start3A = arith.constant 0 : i32
    %dma_start3A_70 = arith.constant 0 : i32
    %dma_start3A_71 = arith.constant 0 : i32
    %dma_start3A_72 = tpu.memref_slice %arg6[%dma_start3A, %dma_start3A_71] : memref<16x128xf32, #tpu.memory_space<vmem>> -> memref<1x128xf32, #tpu.memory_space<vmem>>
    %dma_start3A_73 = tpu.memref_squeeze %dma_start3A_72 : memref<1x128xf32, #tpu.memory_space<vmem>> -> memref<128xf32, #tpu.memory_space<vmem>>
    %dma_start3A_74 = arith.constant 0 : i32
    %dma_start3A_75 = tpu.memref_slice %arg5[%dma_start3A_70, %dma_start3A_74] : memref<16x128xi32, #tpu.memory_space<vmem>> -> memref<1x128xi32, #tpu.memory_space<vmem>>
    %dma_start3A_76 = tpu.memref_squeeze %dma_start3A_75 : memref<1x128xi32, #tpu.memory_space<vmem>> -> memref<128xi32, #tpu.memory_space<vmem>>
    %dma_start3A_77 = arith.constant 0 : i32
    %dma_start3A_78 = tpu.memref_slice %arg8[%dma_start3A_77] : memref<256xf32, #tpu.memory_space<vmem_shared>> -> memref<256xf32, #tpu.memory_space<vmem_shared>>
    tpu.enqueue_indirect_dma source(%dma_start3A_73 : memref<128xf32, #tpu.memory_space<vmem>>) target(%dma_start3A_78 : memref<256xf32, #tpu.memory_space<vmem_shared>>) offsets(%dma_start3A_76 : memref<128xi32, #tpu.memory_space<vmem>>) semaphore(%arg9 : memref<!tpu.dma_semaphore, #tpu.memory_space<semaphore_mem>>) {add = true}
    %dma_start3A_79 = arith.constant 1 : i32
    %dma_start3A_80 = arith.constant 1 : i32
    %dma_start3A_81 = arith.constant 0 : i32
    %dma_start3A_82 = tpu.memref_slice %arg6[%dma_start3A_79, %dma_start3A_81] : memref<16x128xf32, #tpu.memory_space<vmem>> -> memref<1x128xf32, #tpu.memory_space<vmem>>
    %dma_start3A_83 = tpu.memref_squeeze %dma_start3A_82 : memref<1x128xf32, #tpu.memory_space<vmem>> -> memref<128xf32, #tpu.memory_space<vmem>>
    %dma_start3A_84 = arith.constant 0 : i32
    %dma_start3A_85 = tpu.memref_slice %arg5[%dma_start3A_80, %dma_start3A_84] : memref<16x128xi32, #tpu.memory_space<vmem>> -> memref<1x128xi32, #tpu.memory_space<vmem>>
    %dma_start3A_86 = tpu.memref_squeeze %dma_start3A_85 : memref<1x128xi32, #tpu.memory_space<vmem>> -> memref<128xi32, #tpu.memory_space<vmem>>
    %dma_start3A_87 = arith.constant 0 : i32
    %dma_start3A_88 = tpu.memref_slice %arg8[%dma_start3A_87] : memref<256xf32, #tpu.memory_space<vmem_shared>> -> memref<256xf32, #tpu.memory_space<vmem_shared>>
    tpu.enqueue_indirect_dma source(%dma_start3A_83 : memref<128xf32, #tpu.memory_space<vmem>>) target(%dma_start3A_88 : memref<256xf32, #tpu.memory_space<vmem_shared>>) offsets(%dma_start3A_86 : memref<128xi32, #tpu.memory_space<vmem>>) semaphore(%arg9 : memref<!tpu.dma_semaphore, #tpu.memory_space<semaphore_mem>>) {add = true}
    %dma_start3A_89 = arith.constant 2 : i32
    %dma_start3A_90 = arith.constant 2 : i32
    %dma_start3A_91 = arith.constant 0 : i32
    %dma_start3A_92 = tpu.memref_slice %arg6[%dma_start3A_89, %dma_start3A_91] : memref<16x128xf32, #tpu.memory_space<vmem>> -> memref<1x128xf32, #tpu.memory_space<vmem>>
    %dma_start3A_93 = tpu.memref_squeeze %dma_start3A_92 : memref<1x128xf32, #tpu.memory_space<vmem>> -> memref<128xf32, #tpu.memory_space<vmem>>
    %dma_start3A_94 = arith.constant 0 : i32
    %dma_start3A_95 = tpu.memref_slice %arg5[%dma_start3A_90, %dma_start3A_94] : memref<16x128xi32, #tpu.memory_space<vmem>> -> memref<1x128xi32, #tpu.memory_space<vmem>>
    %dma_start3A_96 = tpu.memref_squeeze %dma_start3A_95 : memref<1x128xi32, #tpu.memory_space<vmem>> -> memref<128xi32, #tpu.memory_space<vmem>>
    %dma_start3A_97 = arith.constant 0 : i32
    %dma_start3A_98 = tpu.memref_slice %arg8[%dma_start3A_97] : memref<256xf32, #tpu.memory_space<vmem_shared>> -> memref<256xf32, #tpu.memory_space<vmem_shared>>
    tpu.enqueue_indirect_dma source(%dma_start3A_93 : memref<128xf32, #tpu.memory_space<vmem>>) target(%dma_start3A_98 : memref<256xf32, #tpu.memory_space<vmem_shared>>) offsets(%dma_start3A_96 : memref<128xi32, #tpu.memory_space<vmem>>) semaphore(%arg9 : memref<!tpu.dma_semaphore, #tpu.memory_space<semaphore_mem>>) {add = true}
    %dma_start3A_99 = arith.constant 3 : i32
    %dma_start3A_100 = arith.constant 3 : i32
    %dma_start3A_101 = arith.constant 0 : i32
    %dma_start3A_102 = tpu.memref_slice %arg6[%dma_start3A_99, %dma_start3A_101] : memref<16x128xf32, #tpu.memory_space<vmem>> -> memref<1x128xf32, #tpu.memory_space<vmem>>
    %dma_start3A_103 = tpu.memref_squeeze %dma_start3A_102 : memref<1x128xf32, #tpu.memory_space<vmem>> -> memref<128xf32, #tpu.memory_space<vmem>>
    %dma_start3A_104 = arith.constant 0 : i32
    %dma_start3A_105 = tpu.memref_slice %arg5[%dma_start3A_100, %dma_start3A_104] : memref<16x128xi32, #tpu.memory_space<vmem>> -> memref<1x128xi32, #tpu.memory_space<vmem>>
    %dma_start3A_106 = tpu.memref_squeeze %dma_start3A_105 : memref<1x128xi32, #tpu.memory_space<vmem>> -> memref<128xi32, #tpu.memory_space<vmem>>
    %dma_start3A_107 = arith.constant 0 : i32
    %dma_start3A_108 = tpu.memref_slice %arg8[%dma_start3A_107] : memref<256xf32, #tpu.memory_space<vmem_shared>> -> memref<256xf32, #tpu.memory_space<vmem_shared>>
    tpu.enqueue_indirect_dma source(%dma_start3A_103 : memref<128xf32, #tpu.memory_space<vmem>>) target(%dma_start3A_108 : memref<256xf32, #tpu.memory_space<vmem_shared>>) offsets(%dma_start3A_106 : memref<128xi32, #tpu.memory_space<vmem>>) semaphore(%arg9 : memref<!tpu.dma_semaphore, #tpu.memory_space<semaphore_mem>>) {add = true}
    %dma_start3A_109 = arith.constant 4 : i32
    %dma_start3A_110 = arith.constant 4 : i32
    %dma_start3A_111 = arith.constant 0 : i32
    %dma_start3A_112 = tpu.memref_slice %arg6[%dma_start3A_109, %dma_start3A_111] : memref<16x128xf32, #tpu.memory_space<vmem>> -> memref<1x128xf32, #tpu.memory_space<vmem>>
    %dma_start3A_113 = tpu.memref_squeeze %dma_start3A_112 : memref<1x128xf32, #tpu.memory_space<vmem>> -> memref<128xf32, #tpu.memory_space<vmem>>
    %dma_start3A_114 = arith.constant 0 : i32
    %dma_start3A_115 = tpu.memref_slice %arg5[%dma_start3A_110, %dma_start3A_114] : memref<16x128xi32, #tpu.memory_space<vmem>> -> memref<1x128xi32, #tpu.memory_space<vmem>>
    %dma_start3A_116 = tpu.memref_squeeze %dma_start3A_115 : memref<1x128xi32, #tpu.memory_space<vmem>> -> memref<128xi32, #tpu.memory_space<vmem>>
    %dma_start3A_117 = arith.constant 0 : i32
    %dma_start3A_118 = tpu.memref_slice %arg8[%dma_start3A_117] : memref<256xf32, #tpu.memory_space<vmem_shared>> -> memref<256xf32, #tpu.memory_space<vmem_shared>>
    tpu.enqueue_indirect_dma source(%dma_start3A_113 : memref<128xf32, #tpu.memory_space<vmem>>) target(%dma_start3A_118 : memref<256xf32, #tpu.memory_space<vmem_shared>>) offsets(%dma_start3A_116 : memref<128xi32, #tpu.memory_space<vmem>>) semaphore(%arg9 : memref<!tpu.dma_semaphore, #tpu.memory_space<semaphore_mem>>) {add = true}
    %dma_start3A_119 = arith.constant 5 : i32
    %dma_start3A_120 = arith.constant 5 : i32
    %dma_start3A_121 = arith.constant 0 : i32
    %dma_start3A_122 = tpu.memref_slice %arg6[%dma_start3A_119, %dma_start3A_121] : memref<16x128xf32, #tpu.memory_space<vmem>> -> memref<1x128xf32, #tpu.memory_space<vmem>>
    %dma_start3A_123 = tpu.memref_squeeze %dma_start3A_122 : memref<1x128xf32, #tpu.memory_space<vmem>> -> memref<128xf32, #tpu.memory_space<vmem>>
    %dma_start3A_124 = arith.constant 0 : i32
    %dma_start3A_125 = tpu.memref_slice %arg5[%dma_start3A_120, %dma_start3A_124] : memref<16x128xi32, #tpu.memory_space<vmem>> -> memref<1x128xi32, #tpu.memory_space<vmem>>
    %dma_start3A_126 = tpu.memref_squeeze %dma_start3A_125 : memref<1x128xi32, #tpu.memory_space<vmem>> -> memref<128xi32, #tpu.memory_space<vmem>>
    %dma_start3A_127 = arith.constant 0 : i32
    %dma_start3A_128 = tpu.memref_slice %arg8[%dma_start3A_127] : memref<256xf32, #tpu.memory_space<vmem_shared>> -> memref<256xf32, #tpu.memory_space<vmem_shared>>
    tpu.enqueue_indirect_dma source(%dma_start3A_123 : memref<128xf32, #tpu.memory_space<vmem>>) target(%dma_start3A_128 : memref<256xf32, #tpu.memory_space<vmem_shared>>) offsets(%dma_start3A_126 : memref<128xi32, #tpu.memory_space<vmem>>) semaphore(%arg9 : memref<!tpu.dma_semaphore, #tpu.memory_space<semaphore_mem>>) {add = true}
    %dma_start3A_129 = arith.constant 6 : i32
    %dma_start3A_130 = arith.constant 6 : i32
    %dma_start3A_131 = arith.constant 0 : i32
    %dma_start3A_132 = tpu.memref_slice %arg6[%dma_start3A_129, %dma_start3A_131] : memref<16x128xf32, #tpu.memory_space<vmem>> -> memref<1x128xf32, #tpu.memory_space<vmem>>
    %dma_start3A_133 = tpu.memref_squeeze %dma_start3A_132 : memref<1x128xf32, #tpu.memory_space<vmem>> -> memref<128xf32, #tpu.memory_space<vmem>>
    %dma_start3A_134 = arith.constant 0 : i32
    %dma_start3A_135 = tpu.memref_slice %arg5[%dma_start3A_130, %dma_start3A_134] : memref<16x128xi32, #tpu.memory_space<vmem>> -> memref<1x128xi32, #tpu.memory_space<vmem>>
    %dma_start3A_136 = tpu.memref_squeeze %dma_start3A_135 : memref<1x128xi32, #tpu.memory_space<vmem>> -> memref<128xi32, #tpu.memory_space<vmem>>
    %dma_start3A_137 = arith.constant 0 : i32
    %dma_start3A_138 = tpu.memref_slice %arg8[%dma_start3A_137] : memref<256xf32, #tpu.memory_space<vmem_shared>> -> memref<256xf32, #tpu.memory_space<vmem_shared>>
    tpu.enqueue_indirect_dma source(%dma_start3A_133 : memref<128xf32, #tpu.memory_space<vmem>>) target(%dma_start3A_138 : memref<256xf32, #tpu.memory_space<vmem_shared>>) offsets(%dma_start3A_136 : memref<128xi32, #tpu.memory_space<vmem>>) semaphore(%arg9 : memref<!tpu.dma_semaphore, #tpu.memory_space<semaphore_mem>>) {add = true}
    %dma_start3A_139 = arith.constant 7 : i32
    %dma_start3A_140 = arith.constant 7 : i32
    %dma_start3A_141 = arith.constant 0 : i32
    %dma_start3A_142 = tpu.memref_slice %arg6[%dma_start3A_139, %dma_start3A_141] : memref<16x128xf32, #tpu.memory_space<vmem>> -> memref<1x128xf32, #tpu.memory_space<vmem>>
    %dma_start3A_143 = tpu.memref_squeeze %dma_start3A_142 : memref<1x128xf32, #tpu.memory_space<vmem>> -> memref<128xf32, #tpu.memory_space<vmem>>
    %dma_start3A_144 = arith.constant 0 : i32
    %dma_start3A_145 = tpu.memref_slice %arg5[%dma_start3A_140, %dma_start3A_144] : memref<16x128xi32, #tpu.memory_space<vmem>> -> memref<1x128xi32, #tpu.memory_space<vmem>>
    %dma_start3A_146 = tpu.memref_squeeze %dma_start3A_145 : memref<1x128xi32, #tpu.memory_space<vmem>> -> memref<128xi32, #tpu.memory_space<vmem>>
    %dma_start3A_147 = arith.constant 0 : i32
    %dma_start3A_148 = tpu.memref_slice %arg8[%dma_start3A_147] : memref<256xf32, #tpu.memory_space<vmem_shared>> -> memref<256xf32, #tpu.memory_space<vmem_shared>>
    tpu.enqueue_indirect_dma source(%dma_start3A_143 : memref<128xf32, #tpu.memory_space<vmem>>) target(%dma_start3A_148 : memref<256xf32, #tpu.memory_space<vmem_shared>>) offsets(%dma_start3A_146 : memref<128xi32, #tpu.memory_space<vmem>>) semaphore(%arg9 : memref<!tpu.dma_semaphore, #tpu.memory_space<semaphore_mem>>) {add = true}
    %dma_start3A_149 = arith.constant 8 : i32
    %dma_start3A_150 = arith.constant 8 : i32
    %dma_start3A_151 = arith.constant 0 : i32
    %dma_start3A_152 = tpu.memref_slice %arg6[%dma_start3A_149, %dma_start3A_151] : memref<16x128xf32, #tpu.memory_space<vmem>> -> memref<1x128xf32, #tpu.memory_space<vmem>>
    %dma_start3A_153 = tpu.memref_squeeze %dma_start3A_152 : memref<1x128xf32, #tpu.memory_space<vmem>> -> memref<128xf32, #tpu.memory_space<vmem>>
    %dma_start3A_154 = arith.constant 0 : i32
    %dma_start3A_155 = tpu.memref_slice %arg5[%dma_start3A_150, %dma_start3A_154] : memref<16x128xi32, #tpu.memory_space<vmem>> -> memref<1x128xi32, #tpu.memory_space<vmem>>
    %dma_start3A_156 = tpu.memref_squeeze %dma_start3A_155 : memref<1x128xi32, #tpu.memory_space<vmem>> -> memref<128xi32, #tpu.memory_space<vmem>>
    %dma_start3A_157 = arith.constant 0 : i32
    %dma_start3A_158 = tpu.memref_slice %arg8[%dma_start3A_157] : memref<256xf32, #tpu.memory_space<vmem_shared>> -> memref<256xf32, #tpu.memory_space<vmem_shared>>
    tpu.enqueue_indirect_dma source(%dma_start3A_153 : memref<128xf32, #tpu.memory_space<vmem>>) target(%dma_start3A_158 : memref<256xf32, #tpu.memory_space<vmem_shared>>) offsets(%dma_start3A_156 : memref<128xi32, #tpu.memory_space<vmem>>) semaphore(%arg9 : memref<!tpu.dma_semaphore, #tpu.memory_space<semaphore_mem>>) {add = true}
    %dma_start3A_159 = arith.constant 9 : i32
    %dma_start3A_160 = arith.constant 9 : i32
    %dma_start3A_161 = arith.constant 0 : i32
    %dma_start3A_162 = tpu.memref_slice %arg6[%dma_start3A_159, %dma_start3A_161] : memref<16x128xf32, #tpu.memory_space<vmem>> -> memref<1x128xf32, #tpu.memory_space<vmem>>
    %dma_start3A_163 = tpu.memref_squeeze %dma_start3A_162 : memref<1x128xf32, #tpu.memory_space<vmem>> -> memref<128xf32, #tpu.memory_space<vmem>>
    %dma_start3A_164 = arith.constant 0 : i32
    %dma_start3A_165 = tpu.memref_slice %arg5[%dma_start3A_160, %dma_start3A_164] : memref<16x128xi32, #tpu.memory_space<vmem>> -> memref<1x128xi32, #tpu.memory_space<vmem>>
    %dma_start3A_166 = tpu.memref_squeeze %dma_start3A_165 : memref<1x128xi32, #tpu.memory_space<vmem>> -> memref<128xi32, #tpu.memory_space<vmem>>
    %dma_start3A_167 = arith.constant 0 : i32
    %dma_start3A_168 = tpu.memref_slice %arg8[%dma_start3A_167] : memref<256xf32, #tpu.memory_space<vmem_shared>> -> memref<256xf32, #tpu.memory_space<vmem_shared>>
    tpu.enqueue_indirect_dma source(%dma_start3A_163 : memref<128xf32, #tpu.memory_space<vmem>>) target(%dma_start3A_168 : memref<256xf32, #tpu.memory_space<vmem_shared>>) offsets(%dma_start3A_166 : memref<128xi32, #tpu.memory_space<vmem>>) semaphore(%arg9 : memref<!tpu.dma_semaphore, #tpu.memory_space<semaphore_mem>>) {add = true}
    %dma_start3A_169 = arith.constant 10 : i32
    %dma_start3A_170 = arith.constant 10 : i32
    %dma_start3A_171 = arith.constant 0 : i32
    %dma_start3A_172 = tpu.memref_slice %arg6[%dma_start3A_169, %dma_start3A_171] : memref<16x128xf32, #tpu.memory_space<vmem>> -> memref<1x128xf32, #tpu.memory_space<vmem>>
    %dma_start3A_173 = tpu.memref_squeeze %dma_start3A_172 : memref<1x128xf32, #tpu.memory_space<vmem>> -> memref<128xf32, #tpu.memory_space<vmem>>
    %dma_start3A_174 = arith.constant 0 : i32
    %dma_start3A_175 = tpu.memref_slice %arg5[%dma_start3A_170, %dma_start3A_174] : memref<16x128xi32, #tpu.memory_space<vmem>> -> memref<1x128xi32, #tpu.memory_space<vmem>>
    %dma_start3A_176 = tpu.memref_squeeze %dma_start3A_175 : memref<1x128xi32, #tpu.memory_space<vmem>> -> memref<128xi32, #tpu.memory_space<vmem>>
    %dma_start3A_177 = arith.constant 0 : i32
    %dma_start3A_178 = tpu.memref_slice %arg8[%dma_start3A_177] : memref<256xf32, #tpu.memory_space<vmem_shared>> -> memref<256xf32, #tpu.memory_space<vmem_shared>>
    tpu.enqueue_indirect_dma source(%dma_start3A_173 : memref<128xf32, #tpu.memory_space<vmem>>) target(%dma_start3A_178 : memref<256xf32, #tpu.memory_space<vmem_shared>>) offsets(%dma_start3A_176 : memref<128xi32, #tpu.memory_space<vmem>>) semaphore(%arg9 : memref<!tpu.dma_semaphore, #tpu.memory_space<semaphore_mem>>) {add = true}
    %dma_start3A_179 = arith.constant 11 : i32
    %dma_start3A_180 = arith.constant 11 : i32
    %dma_start3A_181 = arith.constant 0 : i32
    %dma_start3A_182 = tpu.memref_slice %arg6[%dma_start3A_179, %dma_start3A_181] : memref<16x128xf32, #tpu.memory_space<vmem>> -> memref<1x128xf32, #tpu.memory_space<vmem>>
    %dma_start3A_183 = tpu.memref_squeeze %dma_start3A_182 : memref<1x128xf32, #tpu.memory_space<vmem>> -> memref<128xf32, #tpu.memory_space<vmem>>
    %dma_start3A_184 = arith.constant 0 : i32
    %dma_start3A_185 = tpu.memref_slice %arg5[%dma_start3A_180, %dma_start3A_184] : memref<16x128xi32, #tpu.memory_space<vmem>> -> memref<1x128xi32, #tpu.memory_space<vmem>>
    %dma_start3A_186 = tpu.memref_squeeze %dma_start3A_185 : memref<1x128xi32, #tpu.memory_space<vmem>> -> memref<128xi32, #tpu.memory_space<vmem>>
    %dma_start3A_187 = arith.constant 0 : i32
    %dma_start3A_188 = tpu.memref_slice %arg8[%dma_start3A_187] : memref<256xf32, #tpu.memory_space<vmem_shared>> -> memref<256xf32, #tpu.memory_space<vmem_shared>>
    tpu.enqueue_indirect_dma source(%dma_start3A_183 : memref<128xf32, #tpu.memory_space<vmem>>) target(%dma_start3A_188 : memref<256xf32, #tpu.memory_space<vmem_shared>>) offsets(%dma_start3A_186 : memref<128xi32, #tpu.memory_space<vmem>>) semaphore(%arg9 : memref<!tpu.dma_semaphore, #tpu.memory_space<semaphore_mem>>) {add = true}
    %dma_start3A_189 = arith.constant 12 : i32
    %dma_start3A_190 = arith.constant 12 : i32
    %dma_start3A_191 = arith.constant 0 : i32
    %dma_start3A_192 = tpu.memref_slice %arg6[%dma_start3A_189, %dma_start3A_191] : memref<16x128xf32, #tpu.memory_space<vmem>> -> memref<1x128xf32, #tpu.memory_space<vmem>>
    %dma_start3A_193 = tpu.memref_squeeze %dma_start3A_192 : memref<1x128xf32, #tpu.memory_space<vmem>> -> memref<128xf32, #tpu.memory_space<vmem>>
    %dma_start3A_194 = arith.constant 0 : i32
    %dma_start3A_195 = tpu.memref_slice %arg5[%dma_start3A_190, %dma_start3A_194] : memref<16x128xi32, #tpu.memory_space<vmem>> -> memref<1x128xi32, #tpu.memory_space<vmem>>
    %dma_start3A_196 = tpu.memref_squeeze %dma_start3A_195 : memref<1x128xi32, #tpu.memory_space<vmem>> -> memref<128xi32, #tpu.memory_space<vmem>>
    %dma_start3A_197 = arith.constant 0 : i32
    %dma_start3A_198 = tpu.memref_slice %arg8[%dma_start3A_197] : memref<256xf32, #tpu.memory_space<vmem_shared>> -> memref<256xf32, #tpu.memory_space<vmem_shared>>
    tpu.enqueue_indirect_dma source(%dma_start3A_193 : memref<128xf32, #tpu.memory_space<vmem>>) target(%dma_start3A_198 : memref<256xf32, #tpu.memory_space<vmem_shared>>) offsets(%dma_start3A_196 : memref<128xi32, #tpu.memory_space<vmem>>) semaphore(%arg9 : memref<!tpu.dma_semaphore, #tpu.memory_space<semaphore_mem>>) {add = true}
    %dma_start3A_199 = arith.constant 13 : i32
    %dma_start3A_200 = arith.constant 13 : i32
    %dma_start3A_201 = arith.constant 0 : i32
    %dma_start3A_202 = tpu.memref_slice %arg6[%dma_start3A_199, %dma_start3A_201] : memref<16x128xf32, #tpu.memory_space<vmem>> -> memref<1x128xf32, #tpu.memory_space<vmem>>
    %dma_start3A_203 = tpu.memref_squeeze %dma_start3A_202 : memref<1x128xf32, #tpu.memory_space<vmem>> -> memref<128xf32, #tpu.memory_space<vmem>>
    %dma_start3A_204 = arith.constant 0 : i32
    %dma_start3A_205 = tpu.memref_slice %arg5[%dma_start3A_200, %dma_start3A_204] : memref<16x128xi32, #tpu.memory_space<vmem>> -> memref<1x128xi32, #tpu.memory_space<vmem>>
    %dma_start3A_206 = tpu.memref_squeeze %dma_start3A_205 : memref<1x128xi32, #tpu.memory_space<vmem>> -> memref<128xi32, #tpu.memory_space<vmem>>
    %dma_start3A_207 = arith.constant 0 : i32
    %dma_start3A_208 = tpu.memref_slice %arg8[%dma_start3A_207] : memref<256xf32, #tpu.memory_space<vmem_shared>> -> memref<256xf32, #tpu.memory_space<vmem_shared>>
    tpu.enqueue_indirect_dma source(%dma_start3A_203 : memref<128xf32, #tpu.memory_space<vmem>>) target(%dma_start3A_208 : memref<256xf32, #tpu.memory_space<vmem_shared>>) offsets(%dma_start3A_206 : memref<128xi32, #tpu.memory_space<vmem>>) semaphore(%arg9 : memref<!tpu.dma_semaphore, #tpu.memory_space<semaphore_mem>>) {add = true}
    %dma_start3A_209 = arith.constant 14 : i32
    %dma_start3A_210 = arith.constant 14 : i32
    %dma_start3A_211 = arith.constant 0 : i32
    %dma_start3A_212 = tpu.memref_slice %arg6[%dma_start3A_209, %dma_start3A_211] : memref<16x128xf32, #tpu.memory_space<vmem>> -> memref<1x128xf32, #tpu.memory_space<vmem>>
    %dma_start3A_213 = tpu.memref_squeeze %dma_start3A_212 : memref<1x128xf32, #tpu.memory_space<vmem>> -> memref<128xf32, #tpu.memory_space<vmem>>
    %dma_start3A_214 = arith.constant 0 : i32
    %dma_start3A_215 = tpu.memref_slice %arg5[%dma_start3A_210, %dma_start3A_214] : memref<16x128xi32, #tpu.memory_space<vmem>> -> memref<1x128xi32, #tpu.memory_space<vmem>>
    %dma_start3A_216 = tpu.memref_squeeze %dma_start3A_215 : memref<1x128xi32, #tpu.memory_space<vmem>> -> memref<128xi32, #tpu.memory_space<vmem>>
    %dma_start3A_217 = arith.constant 0 : i32
    %dma_start3A_218 = tpu.memref_slice %arg8[%dma_start3A_217] : memref<256xf32, #tpu.memory_space<vmem_shared>> -> memref<256xf32, #tpu.memory_space<vmem_shared>>
    tpu.enqueue_indirect_dma source(%dma_start3A_213 : memref<128xf32, #tpu.memory_space<vmem>>) target(%dma_start3A_218 : memref<256xf32, #tpu.memory_space<vmem_shared>>) offsets(%dma_start3A_216 : memref<128xi32, #tpu.memory_space<vmem>>) semaphore(%arg9 : memref<!tpu.dma_semaphore, #tpu.memory_space<semaphore_mem>>) {add = true}
    %dma_start3A_219 = arith.constant 15 : i32
    %dma_start3A_220 = arith.constant 15 : i32
    %dma_start3A_221 = arith.constant 0 : i32
    %dma_start3A_222 = tpu.memref_slice %arg6[%dma_start3A_219, %dma_start3A_221] : memref<16x128xf32, #tpu.memory_space<vmem>> -> memref<1x128xf32, #tpu.memory_space<vmem>>
    %dma_start3A_223 = tpu.memref_squeeze %dma_start3A_222 : memref<1x128xf32, #tpu.memory_space<vmem>> -> memref<128xf32, #tpu.memory_space<vmem>>
    %dma_start3A_224 = arith.constant 0 : i32
    %dma_start3A_225 = tpu.memref_slice %arg5[%dma_start3A_220, %dma_start3A_224] : memref<16x128xi32, #tpu.memory_space<vmem>> -> memref<1x128xi32, #tpu.memory_space<vmem>>
    %dma_start3A_226 = tpu.memref_squeeze %dma_start3A_225 : memref<1x128xi32, #tpu.memory_space<vmem>> -> memref<128xi32, #tpu.memory_space<vmem>>
    %dma_start3A_227 = arith.constant 0 : i32
    %dma_start3A_228 = tpu.memref_slice %arg8[%dma_start3A_227] : memref<256xf32, #tpu.memory_space<vmem_shared>> -> memref<256xf32, #tpu.memory_space<vmem_shared>>
    tpu.enqueue_indirect_dma source(%dma_start3A_223 : memref<128xf32, #tpu.memory_space<vmem>>) target(%dma_start3A_228 : memref<256xf32, #tpu.memory_space<vmem_shared>>) offsets(%dma_start3A_226 : memref<128xi32, #tpu.memory_space<vmem>>) semaphore(%arg9 : memref<!tpu.dma_semaphore, #tpu.memory_space<semaphore_mem>>) {add = true}
    %dma_wait3A = arith.constant 0 : i32
    %dma_wait3A_229 = arith.constant 0 : i32
    %dma_wait3A_230 = arith.constant 0 : i32
    %dma_wait3A_231 = tpu.memref_slice %arg6[%dma_wait3A, %dma_wait3A_230] : memref<16x128xf32, #tpu.memory_space<vmem>> -> memref<1x128xf32, #tpu.memory_space<vmem>>
    %dma_wait3A_232 = tpu.memref_squeeze %dma_wait3A_231 : memref<1x128xf32, #tpu.memory_space<vmem>> -> memref<128xf32, #tpu.memory_space<vmem>>
    %dma_wait3A_233 = arith.constant 0 : i32
    %dma_wait3A_234 = tpu.memref_slice %arg5[%dma_wait3A_229, %dma_wait3A_233] : memref<16x128xi32, #tpu.memory_space<vmem>> -> memref<1x128xi32, #tpu.memory_space<vmem>>
    %dma_wait3A_235 = tpu.memref_squeeze %dma_wait3A_234 : memref<1x128xi32, #tpu.memory_space<vmem>> -> memref<128xi32, #tpu.memory_space<vmem>>
    %dma_wait3A_236 = arith.constant 0 : i32
    %dma_wait3A_237 = tpu.memref_slice %arg8[%dma_wait3A_236] : memref<256xf32, #tpu.memory_space<vmem_shared>> -> memref<256xf32, #tpu.memory_space<vmem_shared>>
    tpu.wait_indirect_dma semaphore(%arg9 : memref<!tpu.dma_semaphore, #tpu.memory_space<semaphore_mem>>) src(%dma_wait3A_232 : memref<128xf32, #tpu.memory_space<vmem>>) dst(%dma_wait3A_237 : memref<256xf32, #tpu.memory_space<vmem_shared>>)
    %dma_wait3A_238 = arith.constant 1 : i32
    %dma_wait3A_239 = arith.constant 1 : i32
    %dma_wait3A_240 = arith.constant 0 : i32
    %dma_wait3A_241 = tpu.memref_slice %arg6[%dma_wait3A_238, %dma_wait3A_240] : memref<16x128xf32, #tpu.memory_space<vmem>> -> memref<1x128xf32, #tpu.memory_space<vmem>>
    %dma_wait3A_242 = tpu.memref_squeeze %dma_wait3A_241 : memref<1x128xf32, #tpu.memory_space<vmem>> -> memref<128xf32, #tpu.memory_space<vmem>>
    %dma_wait3A_243 = arith.constant 0 : i32
    %dma_wait3A_244 = tpu.memref_slice %arg5[%dma_wait3A_239, %dma_wait3A_243] : memref<16x128xi32, #tpu.memory_space<vmem>> -> memref<1x128xi32, #tpu.memory_space<vmem>>
    %dma_wait3A_245 = tpu.memref_squeeze %dma_wait3A_244 : memref<1x128xi32, #tpu.memory_space<vmem>> -> memref<128xi32, #tpu.memory_space<vmem>>
    %dma_wait3A_246 = arith.constant 0 : i32
    %dma_wait3A_247 = tpu.memref_slice %arg8[%dma_wait3A_246] : memref<256xf32, #tpu.memory_space<vmem_shared>> -> memref<256xf32, #tpu.memory_space<vmem_shared>>
    tpu.wait_indirect_dma semaphore(%arg9 : memref<!tpu.dma_semaphore, #tpu.memory_space<semaphore_mem>>) src(%dma_wait3A_242 : memref<128xf32, #tpu.memory_space<vmem>>) dst(%dma_wait3A_247 : memref<256xf32, #tpu.memory_space<vmem_shared>>)
    %dma_wait3A_248 = arith.constant 2 : i32
    %dma_wait3A_249 = arith.constant 2 : i32
    %dma_wait3A_250 = arith.constant 0 : i32
    %dma_wait3A_251 = tpu.memref_slice %arg6[%dma_wait3A_248, %dma_wait3A_250] : memref<16x128xf32, #tpu.memory_space<vmem>> -> memref<1x128xf32, #tpu.memory_space<vmem>>
    %dma_wait3A_252 = tpu.memref_squeeze %dma_wait3A_251 : memref<1x128xf32, #tpu.memory_space<vmem>> -> memref<128xf32, #tpu.memory_space<vmem>>
    %dma_wait3A_253 = arith.constant 0 : i32
    %dma_wait3A_254 = tpu.memref_slice %arg5[%dma_wait3A_249, %dma_wait3A_253] : memref<16x128xi32, #tpu.memory_space<vmem>> -> memref<1x128xi32, #tpu.memory_space<vmem>>
    %dma_wait3A_255 = tpu.memref_squeeze %dma_wait3A_254 : memref<1x128xi32, #tpu.memory_space<vmem>> -> memref<128xi32, #tpu.memory_space<vmem>>
    %dma_wait3A_256 = arith.constant 0 : i32
    %dma_wait3A_257 = tpu.memref_slice %arg8[%dma_wait3A_256] : memref<256xf32, #tpu.memory_space<vmem_shared>> -> memref<256xf32, #tpu.memory_space<vmem_shared>>
    tpu.wait_indirect_dma semaphore(%arg9 : memref<!tpu.dma_semaphore, #tpu.memory_space<semaphore_mem>>) src(%dma_wait3A_252 : memref<128xf32, #tpu.memory_space<vmem>>) dst(%dma_wait3A_257 : memref<256xf32, #tpu.memory_space<vmem_shared>>)
    %dma_wait3A_258 = arith.constant 3 : i32
    %dma_wait3A_259 = arith.constant 3 : i32
    %dma_wait3A_260 = arith.constant 0 : i32
    %dma_wait3A_261 = tpu.memref_slice %arg6[%dma_wait3A_258, %dma_wait3A_260] : memref<16x128xf32, #tpu.memory_space<vmem>> -> memref<1x128xf32, #tpu.memory_space<vmem>>
    %dma_wait3A_262 = tpu.memref_squeeze %dma_wait3A_261 : memref<1x128xf32, #tpu.memory_space<vmem>> -> memref<128xf32, #tpu.memory_space<vmem>>
    %dma_wait3A_263 = arith.constant 0 : i32
    %dma_wait3A_264 = tpu.memref_slice %arg5[%dma_wait3A_259, %dma_wait3A_263] : memref<16x128xi32, #tpu.memory_space<vmem>> -> memref<1x128xi32, #tpu.memory_space<vmem>>
    %dma_wait3A_265 = tpu.memref_squeeze %dma_wait3A_264 : memref<1x128xi32, #tpu.memory_space<vmem>> -> memref<128xi32, #tpu.memory_space<vmem>>
    %dma_wait3A_266 = arith.constant 0 : i32
    %dma_wait3A_267 = tpu.memref_slice %arg8[%dma_wait3A_266] : memref<256xf32, #tpu.memory_space<vmem_shared>> -> memref<256xf32, #tpu.memory_space<vmem_shared>>
    tpu.wait_indirect_dma semaphore(%arg9 : memref<!tpu.dma_semaphore, #tpu.memory_space<semaphore_mem>>) src(%dma_wait3A_262 : memref<128xf32, #tpu.memory_space<vmem>>) dst(%dma_wait3A_267 : memref<256xf32, #tpu.memory_space<vmem_shared>>)
    %dma_wait3A_268 = arith.constant 4 : i32
    %dma_wait3A_269 = arith.constant 4 : i32
    %dma_wait3A_270 = arith.constant 0 : i32
    %dma_wait3A_271 = tpu.memref_slice %arg6[%dma_wait3A_268, %dma_wait3A_270] : memref<16x128xf32, #tpu.memory_space<vmem>> -> memref<1x128xf32, #tpu.memory_space<vmem>>
    %dma_wait3A_272 = tpu.memref_squeeze %dma_wait3A_271 : memref<1x128xf32, #tpu.memory_space<vmem>> -> memref<128xf32, #tpu.memory_space<vmem>>
    %dma_wait3A_273 = arith.constant 0 : i32
    %dma_wait3A_274 = tpu.memref_slice %arg5[%dma_wait3A_269, %dma_wait3A_273] : memref<16x128xi32, #tpu.memory_space<vmem>> -> memref<1x128xi32, #tpu.memory_space<vmem>>
    %dma_wait3A_275 = tpu.memref_squeeze %dma_wait3A_274 : memref<1x128xi32, #tpu.memory_space<vmem>> -> memref<128xi32, #tpu.memory_space<vmem>>
    %dma_wait3A_276 = arith.constant 0 : i32
    %dma_wait3A_277 = tpu.memref_slice %arg8[%dma_wait3A_276] : memref<256xf32, #tpu.memory_space<vmem_shared>> -> memref<256xf32, #tpu.memory_space<vmem_shared>>
    tpu.wait_indirect_dma semaphore(%arg9 : memref<!tpu.dma_semaphore, #tpu.memory_space<semaphore_mem>>) src(%dma_wait3A_272 : memref<128xf32, #tpu.memory_space<vmem>>) dst(%dma_wait3A_277 : memref<256xf32, #tpu.memory_space<vmem_shared>>)
    %dma_wait3A_278 = arith.constant 5 : i32
    %dma_wait3A_279 = arith.constant 5 : i32
    %dma_wait3A_280 = arith.constant 0 : i32
    %dma_wait3A_281 = tpu.memref_slice %arg6[%dma_wait3A_278, %dma_wait3A_280] : memref<16x128xf32, #tpu.memory_space<vmem>> -> memref<1x128xf32, #tpu.memory_space<vmem>>
    %dma_wait3A_282 = tpu.memref_squeeze %dma_wait3A_281 : memref<1x128xf32, #tpu.memory_space<vmem>> -> memref<128xf32, #tpu.memory_space<vmem>>
    %dma_wait3A_283 = arith.constant 0 : i32
    %dma_wait3A_284 = tpu.memref_slice %arg5[%dma_wait3A_279, %dma_wait3A_283] : memref<16x128xi32, #tpu.memory_space<vmem>> -> memref<1x128xi32, #tpu.memory_space<vmem>>
    %dma_wait3A_285 = tpu.memref_squeeze %dma_wait3A_284 : memref<1x128xi32, #tpu.memory_space<vmem>> -> memref<128xi32, #tpu.memory_space<vmem>>
    %dma_wait3A_286 = arith.constant 0 : i32
    %dma_wait3A_287 = tpu.memref_slice %arg8[%dma_wait3A_286] : memref<256xf32, #tpu.memory_space<vmem_shared>> -> memref<256xf32, #tpu.memory_space<vmem_shared>>
    tpu.wait_indirect_dma semaphore(%arg9 : memref<!tpu.dma_semaphore, #tpu.memory_space<semaphore_mem>>) src(%dma_wait3A_282 : memref<128xf32, #tpu.memory_space<vmem>>) dst(%dma_wait3A_287 : memref<256xf32, #tpu.memory_space<vmem_shared>>)
    %dma_wait3A_288 = arith.constant 6 : i32
    %dma_wait3A_289 = arith.constant 6 : i32
    %dma_wait3A_290 = arith.constant 0 : i32
    %dma_wait3A_291 = tpu.memref_slice %arg6[%dma_wait3A_288, %dma_wait3A_290] : memref<16x128xf32, #tpu.memory_space<vmem>> -> memref<1x128xf32, #tpu.memory_space<vmem>>
    %dma_wait3A_292 = tpu.memref_squeeze %dma_wait3A_291 : memref<1x128xf32, #tpu.memory_space<vmem>> -> memref<128xf32, #tpu.memory_space<vmem>>
    %dma_wait3A_293 = arith.constant 0 : i32
    %dma_wait3A_294 = tpu.memref_slice %arg5[%dma_wait3A_289, %dma_wait3A_293] : memref<16x128xi32, #tpu.memory_space<vmem>> -> memref<1x128xi32, #tpu.memory_space<vmem>>
    %dma_wait3A_295 = tpu.memref_squeeze %dma_wait3A_294 : memref<1x128xi32, #tpu.memory_space<vmem>> -> memref<128xi32, #tpu.memory_space<vmem>>
    %dma_wait3A_296 = arith.constant 0 : i32
    %dma_wait3A_297 = tpu.memref_slice %arg8[%dma_wait3A_296] : memref<256xf32, #tpu.memory_space<vmem_shared>> -> memref<256xf32, #tpu.memory_space<vmem_shared>>
    tpu.wait_indirect_dma semaphore(%arg9 : memref<!tpu.dma_semaphore, #tpu.memory_space<semaphore_mem>>) src(%dma_wait3A_292 : memref<128xf32, #tpu.memory_space<vmem>>) dst(%dma_wait3A_297 : memref<256xf32, #tpu.memory_space<vmem_shared>>)
    %dma_wait3A_298 = arith.constant 7 : i32
    %dma_wait3A_299 = arith.constant 7 : i32
    %dma_wait3A_300 = arith.constant 0 : i32
    %dma_wait3A_301 = tpu.memref_slice %arg6[%dma_wait3A_298, %dma_wait3A_300] : memref<16x128xf32, #tpu.memory_space<vmem>> -> memref<1x128xf32, #tpu.memory_space<vmem>>
    %dma_wait3A_302 = tpu.memref_squeeze %dma_wait3A_301 : memref<1x128xf32, #tpu.memory_space<vmem>> -> memref<128xf32, #tpu.memory_space<vmem>>
    %dma_wait3A_303 = arith.constant 0 : i32
    %dma_wait3A_304 = tpu.memref_slice %arg5[%dma_wait3A_299, %dma_wait3A_303] : memref<16x128xi32, #tpu.memory_space<vmem>> -> memref<1x128xi32, #tpu.memory_space<vmem>>
    %dma_wait3A_305 = tpu.memref_squeeze %dma_wait3A_304 : memref<1x128xi32, #tpu.memory_space<vmem>> -> memref<128xi32, #tpu.memory_space<vmem>>
    %dma_wait3A_306 = arith.constant 0 : i32
    %dma_wait3A_307 = tpu.memref_slice %arg8[%dma_wait3A_306] : memref<256xf32, #tpu.memory_space<vmem_shared>> -> memref<256xf32, #tpu.memory_space<vmem_shared>>
    tpu.wait_indirect_dma semaphore(%arg9 : memref<!tpu.dma_semaphore, #tpu.memory_space<semaphore_mem>>) src(%dma_wait3A_302 : memref<128xf32, #tpu.memory_space<vmem>>) dst(%dma_wait3A_307 : memref<256xf32, #tpu.memory_space<vmem_shared>>)
    %dma_wait3A_308 = arith.constant 8 : i32
    %dma_wait3A_309 = arith.constant 8 : i32
    %dma_wait3A_310 = arith.constant 0 : i32
    %dma_wait3A_311 = tpu.memref_slice %arg6[%dma_wait3A_308, %dma_wait3A_310] : memref<16x128xf32, #tpu.memory_space<vmem>> -> memref<1x128xf32, #tpu.memory_space<vmem>>
    %dma_wait3A_312 = tpu.memref_squeeze %dma_wait3A_311 : memref<1x128xf32, #tpu.memory_space<vmem>> -> memref<128xf32, #tpu.memory_space<vmem>>
    %dma_wait3A_313 = arith.constant 0 : i32
    %dma_wait3A_314 = tpu.memref_slice %arg5[%dma_wait3A_309, %dma_wait3A_313] : memref<16x128xi32, #tpu.memory_space<vmem>> -> memref<1x128xi32, #tpu.memory_space<vmem>>
    %dma_wait3A_315 = tpu.memref_squeeze %dma_wait3A_314 : memref<1x128xi32, #tpu.memory_space<vmem>> -> memref<128xi32, #tpu.memory_space<vmem>>
    %dma_wait3A_316 = arith.constant 0 : i32
    %dma_wait3A_317 = tpu.memref_slice %arg8[%dma_wait3A_316] : memref<256xf32, #tpu.memory_space<vmem_shared>> -> memref<256xf32, #tpu.memory_space<vmem_shared>>
    tpu.wait_indirect_dma semaphore(%arg9 : memref<!tpu.dma_semaphore, #tpu.memory_space<semaphore_mem>>) src(%dma_wait3A_312 : memref<128xf32, #tpu.memory_space<vmem>>) dst(%dma_wait3A_317 : memref<256xf32, #tpu.memory_space<vmem_shared>>)
    %dma_wait3A_318 = arith.constant 9 : i32
    %dma_wait3A_319 = arith.constant 9 : i32
    %dma_wait3A_320 = arith.constant 0 : i32
    %dma_wait3A_321 = tpu.memref_slice %arg6[%dma_wait3A_318, %dma_wait3A_320] : memref<16x128xf32, #tpu.memory_space<vmem>> -> memref<1x128xf32, #tpu.memory_space<vmem>>
    %dma_wait3A_322 = tpu.memref_squeeze %dma_wait3A_321 : memref<1x128xf32, #tpu.memory_space<vmem>> -> memref<128xf32, #tpu.memory_space<vmem>>
    %dma_wait3A_323 = arith.constant 0 : i32
    %dma_wait3A_324 = tpu.memref_slice %arg5[%dma_wait3A_319, %dma_wait3A_323] : memref<16x128xi32, #tpu.memory_space<vmem>> -> memref<1x128xi32, #tpu.memory_space<vmem>>
    %dma_wait3A_325 = tpu.memref_squeeze %dma_wait3A_324 : memref<1x128xi32, #tpu.memory_space<vmem>> -> memref<128xi32, #tpu.memory_space<vmem>>
    %dma_wait3A_326 = arith.constant 0 : i32
    %dma_wait3A_327 = tpu.memref_slice %arg8[%dma_wait3A_326] : memref<256xf32, #tpu.memory_space<vmem_shared>> -> memref<256xf32, #tpu.memory_space<vmem_shared>>
    tpu.wait_indirect_dma semaphore(%arg9 : memref<!tpu.dma_semaphore, #tpu.memory_space<semaphore_mem>>) src(%dma_wait3A_322 : memref<128xf32, #tpu.memory_space<vmem>>) dst(%dma_wait3A_327 : memref<256xf32, #tpu.memory_space<vmem_shared>>)
    %dma_wait3A_328 = arith.constant 10 : i32
    %dma_wait3A_329 = arith.constant 10 : i32
    %dma_wait3A_330 = arith.constant 0 : i32
    %dma_wait3A_331 = tpu.memref_slice %arg6[%dma_wait3A_328, %dma_wait3A_330] : memref<16x128xf32, #tpu.memory_space<vmem>> -> memref<1x128xf32, #tpu.memory_space<vmem>>
    %dma_wait3A_332 = tpu.memref_squeeze %dma_wait3A_331 : memref<1x128xf32, #tpu.memory_space<vmem>> -> memref<128xf32, #tpu.memory_space<vmem>>
    %dma_wait3A_333 = arith.constant 0 : i32
    %dma_wait3A_334 = tpu.memref_slice %arg5[%dma_wait3A_329, %dma_wait3A_333] : memref<16x128xi32, #tpu.memory_space<vmem>> -> memref<1x128xi32, #tpu.memory_space<vmem>>
    %dma_wait3A_335 = tpu.memref_squeeze %dma_wait3A_334 : memref<1x128xi32, #tpu.memory_space<vmem>> -> memref<128xi32, #tpu.memory_space<vmem>>
    %dma_wait3A_336 = arith.constant 0 : i32
    %dma_wait3A_337 = tpu.memref_slice %arg8[%dma_wait3A_336] : memref<256xf32, #tpu.memory_space<vmem_shared>> -> memref<256xf32, #tpu.memory_space<vmem_shared>>
    tpu.wait_indirect_dma semaphore(%arg9 : memref<!tpu.dma_semaphore, #tpu.memory_space<semaphore_mem>>) src(%dma_wait3A_332 : memref<128xf32, #tpu.memory_space<vmem>>) dst(%dma_wait3A_337 : memref<256xf32, #tpu.memory_space<vmem_shared>>)
    %dma_wait3A_338 = arith.constant 11 : i32
    %dma_wait3A_339 = arith.constant 11 : i32
    %dma_wait3A_340 = arith.constant 0 : i32
    %dma_wait3A_341 = tpu.memref_slice %arg6[%dma_wait3A_338, %dma_wait3A_340] : memref<16x128xf32, #tpu.memory_space<vmem>> -> memref<1x128xf32, #tpu.memory_space<vmem>>
    %dma_wait3A_342 = tpu.memref_squeeze %dma_wait3A_341 : memref<1x128xf32, #tpu.memory_space<vmem>> -> memref<128xf32, #tpu.memory_space<vmem>>
    %dma_wait3A_343 = arith.constant 0 : i32
    %dma_wait3A_344 = tpu.memref_slice %arg5[%dma_wait3A_339, %dma_wait3A_343] : memref<16x128xi32, #tpu.memory_space<vmem>> -> memref<1x128xi32, #tpu.memory_space<vmem>>
    %dma_wait3A_345 = tpu.memref_squeeze %dma_wait3A_344 : memref<1x128xi32, #tpu.memory_space<vmem>> -> memref<128xi32, #tpu.memory_space<vmem>>
    %dma_wait3A_346 = arith.constant 0 : i32
    %dma_wait3A_347 = tpu.memref_slice %arg8[%dma_wait3A_346] : memref<256xf32, #tpu.memory_space<vmem_shared>> -> memref<256xf32, #tpu.memory_space<vmem_shared>>
    tpu.wait_indirect_dma semaphore(%arg9 : memref<!tpu.dma_semaphore, #tpu.memory_space<semaphore_mem>>) src(%dma_wait3A_342 : memref<128xf32, #tpu.memory_space<vmem>>) dst(%dma_wait3A_347 : memref<256xf32, #tpu.memory_space<vmem_shared>>)
    %dma_wait3A_348 = arith.constant 12 : i32
    %dma_wait3A_349 = arith.constant 12 : i32
    %dma_wait3A_350 = arith.constant 0 : i32
    %dma_wait3A_351 = tpu.memref_slice %arg6[%dma_wait3A_348, %dma_wait3A_350] : memref<16x128xf32, #tpu.memory_space<vmem>> -> memref<1x128xf32, #tpu.memory_space<vmem>>
    %dma_wait3A_352 = tpu.memref_squeeze %dma_wait3A_351 : memref<1x128xf32, #tpu.memory_space<vmem>> -> memref<128xf32, #tpu.memory_space<vmem>>
    %dma_wait3A_353 = arith.constant 0 : i32
    %dma_wait3A_354 = tpu.memref_slice %arg5[%dma_wait3A_349, %dma_wait3A_353] : memref<16x128xi32, #tpu.memory_space<vmem>> -> memref<1x128xi32, #tpu.memory_space<vmem>>
    %dma_wait3A_355 = tpu.memref_squeeze %dma_wait3A_354 : memref<1x128xi32, #tpu.memory_space<vmem>> -> memref<128xi32, #tpu.memory_space<vmem>>
    %dma_wait3A_356 = arith.constant 0 : i32
    %dma_wait3A_357 = tpu.memref_slice %arg8[%dma_wait3A_356] : memref<256xf32, #tpu.memory_space<vmem_shared>> -> memref<256xf32, #tpu.memory_space<vmem_shared>>
    tpu.wait_indirect_dma semaphore(%arg9 : memref<!tpu.dma_semaphore, #tpu.memory_space<semaphore_mem>>) src(%dma_wait3A_352 : memref<128xf32, #tpu.memory_space<vmem>>) dst(%dma_wait3A_357 : memref<256xf32, #tpu.memory_space<vmem_shared>>)
    %dma_wait3A_358 = arith.constant 13 : i32
    %dma_wait3A_359 = arith.constant 13 : i32
    %dma_wait3A_360 = arith.constant 0 : i32
    %dma_wait3A_361 = tpu.memref_slice %arg6[%dma_wait3A_358, %dma_wait3A_360] : memref<16x128xf32, #tpu.memory_space<vmem>> -> memref<1x128xf32, #tpu.memory_space<vmem>>
    %dma_wait3A_362 = tpu.memref_squeeze %dma_wait3A_361 : memref<1x128xf32, #tpu.memory_space<vmem>> -> memref<128xf32, #tpu.memory_space<vmem>>
    %dma_wait3A_363 = arith.constant 0 : i32
    %dma_wait3A_364 = tpu.memref_slice %arg5[%dma_wait3A_359, %dma_wait3A_363] : memref<16x128xi32, #tpu.memory_space<vmem>> -> memref<1x128xi32, #tpu.memory_space<vmem>>
    %dma_wait3A_365 = tpu.memref_squeeze %dma_wait3A_364 : memref<1x128xi32, #tpu.memory_space<vmem>> -> memref<128xi32, #tpu.memory_space<vmem>>
    %dma_wait3A_366 = arith.constant 0 : i32
    %dma_wait3A_367 = tpu.memref_slice %arg8[%dma_wait3A_366] : memref<256xf32, #tpu.memory_space<vmem_shared>> -> memref<256xf32, #tpu.memory_space<vmem_shared>>
    tpu.wait_indirect_dma semaphore(%arg9 : memref<!tpu.dma_semaphore, #tpu.memory_space<semaphore_mem>>) src(%dma_wait3A_362 : memref<128xf32, #tpu.memory_space<vmem>>) dst(%dma_wait3A_367 : memref<256xf32, #tpu.memory_space<vmem_shared>>)
    %dma_wait3A_368 = arith.constant 14 : i32
    %dma_wait3A_369 = arith.constant 14 : i32
    %dma_wait3A_370 = arith.constant 0 : i32
    %dma_wait3A_371 = tpu.memref_slice %arg6[%dma_wait3A_368, %dma_wait3A_370] : memref<16x128xf32, #tpu.memory_space<vmem>> -> memref<1x128xf32, #tpu.memory_space<vmem>>
    %dma_wait3A_372 = tpu.memref_squeeze %dma_wait3A_371 : memref<1x128xf32, #tpu.memory_space<vmem>> -> memref<128xf32, #tpu.memory_space<vmem>>
    %dma_wait3A_373 = arith.constant 0 : i32
    %dma_wait3A_374 = tpu.memref_slice %arg5[%dma_wait3A_369, %dma_wait3A_373] : memref<16x128xi32, #tpu.memory_space<vmem>> -> memref<1x128xi32, #tpu.memory_space<vmem>>
    %dma_wait3A_375 = tpu.memref_squeeze %dma_wait3A_374 : memref<1x128xi32, #tpu.memory_space<vmem>> -> memref<128xi32, #tpu.memory_space<vmem>>
    %dma_wait3A_376 = arith.constant 0 : i32
    %dma_wait3A_377 = tpu.memref_slice %arg8[%dma_wait3A_376] : memref<256xf32, #tpu.memory_space<vmem_shared>> -> memref<256xf32, #tpu.memory_space<vmem_shared>>
    tpu.wait_indirect_dma semaphore(%arg9 : memref<!tpu.dma_semaphore, #tpu.memory_space<semaphore_mem>>) src(%dma_wait3A_372 : memref<128xf32, #tpu.memory_space<vmem>>) dst(%dma_wait3A_377 : memref<256xf32, #tpu.memory_space<vmem_shared>>)
    %dma_wait3A_378 = arith.constant 15 : i32
    %dma_wait3A_379 = arith.constant 15 : i32
    %dma_wait3A_380 = arith.constant 0 : i32
    %dma_wait3A_381 = tpu.memref_slice %arg6[%dma_wait3A_378, %dma_wait3A_380] : memref<16x128xf32, #tpu.memory_space<vmem>> -> memref<1x128xf32, #tpu.memory_space<vmem>>
    %dma_wait3A_382 = tpu.memref_squeeze %dma_wait3A_381 : memref<1x128xf32, #tpu.memory_space<vmem>> -> memref<128xf32, #tpu.memory_space<vmem>>
    %dma_wait3A_383 = arith.constant 0 : i32
    %dma_wait3A_384 = tpu.memref_slice %arg5[%dma_wait3A_379, %dma_wait3A_383] : memref<16x128xi32, #tpu.memory_space<vmem>> -> memref<1x128xi32, #tpu.memory_space<vmem>>
    %dma_wait3A_385 = tpu.memref_squeeze %dma_wait3A_384 : memref<1x128xi32, #tpu.memory_space<vmem>> -> memref<128xi32, #tpu.memory_space<vmem>>
    %dma_wait3A_386 = arith.constant 0 : i32
    %dma_wait3A_387 = tpu.memref_slice %arg8[%dma_wait3A_386] : memref<256xf32, #tpu.memory_space<vmem_shared>> -> memref<256xf32, #tpu.memory_space<vmem_shared>>
    tpu.wait_indirect_dma semaphore(%arg9 : memref<!tpu.dma_semaphore, #tpu.memory_space<semaphore_mem>>) src(%dma_wait3A_382 : memref<128xf32, #tpu.memory_space<vmem>>) dst(%dma_wait3A_387 : memref<256xf32, #tpu.memory_space<vmem_shared>>)
    %barrier3A_388 = arith.constant 0 : index
    tpu.barrier barrier_id(%barrier3A_388)
    %eq3A_389 = arith.constant 0 : i32
    %eq3A_390 = arith.cmpi eq, %arg1, %eq3A_389 : i32
    %convert_element_type3A_391 = arith.extui %eq3A_390 : i1 to i32
    %cond3A_392 = arith.constant 0 : i32
    %cond3A_393 = arith.cmpi ne, %convert_element_type3A_391, %cond3A_392 : i32
    scf.if %cond3A_393 {
      "tpu.region"() ({
        %run_scoped3A = tpu.sem_alloc : memref<!tpu.dma_semaphore, #tpu.memory_space<semaphore_mem>>
        %dma_start3A_394 = arith.constant 0 : i32
        %dma_start3A_395 = tpu.memref_slice %arg3[%arg0, %dma_start3A_394] : memref<2x256xf32, #tpu.memory_space<hbm>> -> memref<1x256xf32, #tpu.memory_space<hbm>>
        %dma_start3A_396 = tpu.memref_squeeze %dma_start3A_395 : memref<1x256xf32, #tpu.memory_space<hbm>> -> memref<256xf32, #tpu.memory_space<hbm>>
        tpu.enqueue_dma source(%arg8 : memref<256xf32, #tpu.memory_space<vmem_shared>>) target(%dma_start3A_396 : memref<256xf32, #tpu.memory_space<hbm>>) target_semaphore(%run_scoped3A : memref<!tpu.dma_semaphore, #tpu.memory_space<semaphore_mem>>)
        %dma_wait3A_397 = arith.constant 0 : i32
        %dma_wait3A_398 = tpu.memref_slice %arg3[%arg0, %dma_wait3A_397] : memref<2x256xf32, #tpu.memory_space<hbm>> -> memref<1x256xf32, #tpu.memory_space<hbm>>
        %dma_wait3A_399 = tpu.memref_squeeze %dma_wait3A_398 : memref<1x256xf32, #tpu.memory_space<hbm>> -> memref<256xf32, #tpu.memory_space<hbm>>
        tpu.wait_dma2 semaphore(%run_scoped3A : memref<!tpu.dma_semaphore, #tpu.memory_space<semaphore_mem>>) src(%arg8 : memref<256xf32, #tpu.memory_space<vmem_shared>>) dst(%dma_wait3A_399 : memref<256xf32, #tpu.memory_space<hbm>>)
        tpu.yield
      }) : () -> ()
    } else {
    }
    return
  }
}

module attributes {stable_mosaic.version = 14 : i64} {
  func.func @_tc_body(%arg0: i32, %arg1: memref<4096x128xf32, #tpu.memory_space<vmem>>, %arg2: memref<1x1x64xf32, #tpu.memory_space<vmem>>, %arg3: memref<1x1xf32, #tpu.memory_space<vmem>>, %arg4: memref<1x1xf32, #tpu.memory_space<smem>>) attributes {dimension_semantics = [#tpu.dimension_semantics<arbitrary>], iteration_bounds = array<i64: 4>, scalar_prefetch = 0 : i64, scratch_operands = 1 : i64, tpu.core_type = #tpu.core_type<tc>, window_params = [{transform_indices = @transform_0, window_bounds = array<i64: 4096, 128>}, {transform_indices = @transform_1, window_bounds = array<i64: 1, 1, 64>}, {pipeline_mode = #tpu.pipeline_mode<synchronous>, transform_indices = @transform_2, window_bounds = array<i64: 1, 1>}]} {
    %get3A = arith.constant 0 : index
    %get3A_0 = arith.constant 0 : index
    %get3A_1 = vector.load %arg1[%get3A, %get3A_0] : memref<4096x128xf32, #tpu.memory_space<vmem>>, vector<4096x128xf32>
    %reduce_max3A = arith.constant dense<0xFF800000> : vector<4096xf32>
    %reduce_max3A_2 = vector.multi_reduction <maximumf>, %get3A_1, %reduce_max3A [1] : vector<4096x128xf32> to vector<4096xf32>
    %broadcast_in_dim3A = vector.shape_cast %reduce_max3A_2 : vector<4096xf32> to vector<4096x1xf32>
    %sub3A = vector.broadcast %broadcast_in_dim3A : vector<4096x1xf32> to vector<4096x128xf32>
    %sub3A_3 = arith.subf %get3A_1, %sub3A : vector<4096x128xf32>
    %exp3A = math.exp %sub3A_3 : vector<4096x128xf32>
    %iota3A = tpu.iota {dimensions = array<i32: 0>} : vector<128x128xi32>
    %iota3A_4 = tpu.iota {dimensions = array<i32: 1>} : vector<128x128xi32>
    %jit3A = arith.constant 64 : i32
    %div3A = vector.broadcast %jit3A : i32 to vector<128x128xi32>
    %div3A_5 = arith.divsi %iota3A, %div3A : vector<128x128xi32>
    %sign3A = arith.constant 0 : i32
    %sign3A_6 = vector.broadcast %sign3A : i32 to vector<128x128xi32>
    %sign3A_7 = arith.cmpi sgt, %iota3A, %sign3A_6 : vector<128x128xi32>
    %sign3A_8 = arith.extui %sign3A_7 : vector<128x128xi1> to vector<128x128xi32>
    %sign3A_9 = arith.constant 0 : i32
    %sign3A_10 = vector.broadcast %sign3A_9 : i32 to vector<128x128xi32>
    %sign3A_11 = arith.cmpi slt, %iota3A, %sign3A_10 : vector<128x128xi32>
    %sign3A_12 = arith.extui %sign3A_11 : vector<128x128xi1> to vector<128x128xi32>
    %sign3A_13 = arith.subi %sign3A_8, %sign3A_12 : vector<128x128xi32>
    %sign3A_14 = arith.constant 0 : i32
    %sign3A_15 = arith.cmpi sgt, %jit3A, %sign3A_14 : i32
    %sign3A_16 = arith.extui %sign3A_15 : i1 to i32
    %sign3A_17 = arith.constant 0 : i32
    %sign3A_18 = arith.cmpi slt, %jit3A, %sign3A_17 : i32
    %sign3A_19 = arith.extui %sign3A_18 : i1 to i32
    %sign3A_20 = arith.subi %sign3A_16, %sign3A_19 : i32
    %ne3A = vector.broadcast %sign3A_20 : i32 to vector<128x128xi32>
    %ne3A_21 = arith.cmpi ne, %sign3A_13, %ne3A : vector<128x128xi32>
    %rem3A = vector.broadcast %jit3A : i32 to vector<128x128xi32>
    %rem3A_22 = arith.remsi %iota3A, %rem3A : vector<128x128xi32>
    %ne3A_23 = arith.constant 0 : i32
    %ne3A_24 = vector.broadcast %ne3A_23 : i32 to vector<128x128xi32>
    %ne3A_25 = arith.cmpi ne, %rem3A_22, %ne3A_24 : vector<128x128xi32>
    %and3A = arith.andi %ne3A_21, %ne3A_25 : vector<128x128xi1>
    %sub3A_26 = arith.constant 1 : i32
    %sub3A_27 = vector.broadcast %sub3A_26 : i32 to vector<128x128xi32>
    %sub3A_28 = arith.subi %div3A_5, %sub3A_27 : vector<128x128xi32>
    %select_n3A = arith.select %and3A, %sub3A_28, %div3A_5 : vector<128x128xi1>, vector<128x128xi32>
    %jit3A_29 = arith.constant 64 : i32
    %div3A_30 = vector.broadcast %jit3A_29 : i32 to vector<128x128xi32>
    %div3A_31 = arith.divsi %iota3A_4, %div3A_30 : vector<128x128xi32>
    %sign3A_32 = arith.constant 0 : i32
    %sign3A_33 = vector.broadcast %sign3A_32 : i32 to vector<128x128xi32>
    %sign3A_34 = arith.cmpi sgt, %iota3A_4, %sign3A_33 : vector<128x128xi32>
    %sign3A_35 = arith.extui %sign3A_34 : vector<128x128xi1> to vector<128x128xi32>
    %sign3A_36 = arith.constant 0 : i32
    %sign3A_37 = vector.broadcast %sign3A_36 : i32 to vector<128x128xi32>
    %sign3A_38 = arith.cmpi slt, %iota3A_4, %sign3A_37 : vector<128x128xi32>
    %sign3A_39 = arith.extui %sign3A_38 : vector<128x128xi1> to vector<128x128xi32>
    %sign3A_40 = arith.subi %sign3A_35, %sign3A_39 : vector<128x128xi32>
    %sign3A_41 = arith.constant 0 : i32
    %sign3A_42 = arith.cmpi sgt, %jit3A_29, %sign3A_41 : i32
    %sign3A_43 = arith.extui %sign3A_42 : i1 to i32
    %sign3A_44 = arith.constant 0 : i32
    %sign3A_45 = arith.cmpi slt, %jit3A_29, %sign3A_44 : i32
    %sign3A_46 = arith.extui %sign3A_45 : i1 to i32
    %sign3A_47 = arith.subi %sign3A_43, %sign3A_46 : i32
    %ne3A_48 = vector.broadcast %sign3A_47 : i32 to vector<128x128xi32>
    %ne3A_49 = arith.cmpi ne, %sign3A_40, %ne3A_48 : vector<128x128xi32>
    %rem3A_50 = vector.broadcast %jit3A_29 : i32 to vector<128x128xi32>
    %rem3A_51 = arith.remsi %iota3A_4, %rem3A_50 : vector<128x128xi32>
    %ne3A_52 = arith.constant 0 : i32
    %ne3A_53 = vector.broadcast %ne3A_52 : i32 to vector<128x128xi32>
    %ne3A_54 = arith.cmpi ne, %rem3A_51, %ne3A_53 : vector<128x128xi32>
    %and3A_55 = arith.andi %ne3A_49, %ne3A_54 : vector<128x128xi1>
    %sub3A_56 = arith.constant 1 : i32
    %sub3A_57 = vector.broadcast %sub3A_56 : i32 to vector<128x128xi32>
    %sub3A_58 = arith.subi %div3A_31, %sub3A_57 : vector<128x128xi32>
    %select_n3A_59 = arith.select %and3A_55, %sub3A_58, %div3A_31 : vector<128x128xi1>, vector<128x128xi32>
    %eq3A = arith.cmpi eq, %select_n3A, %select_n3A_59 : vector<128x128xi32>
    %convert_element_type3A = arith.extui %eq3A : vector<128x128xi1> to vector<128x128xi32>
    %convert_element_type3A_60 = arith.sitofp %convert_element_type3A : vector<128x128xi32> to vector<128x128xf32>
    %dot_general3A = arith.constant dense<0.000000e+00> : vector<4096x128xf32>
    %dot_general3A_61 = tpu.matmul %exp3A, %convert_element_type3A_60, %dot_general3A {dimension_numbers = #tpu.dot_dimension_numbers<[1], [0], [0], [1], [0, 0, 1, 1], [], []>, transpose_lhs_hint = false} : vector<4096x128xf32>, vector<128x128xf32>, vector<4096x128xf32> -> vector<4096x128xf32>
    %div3A_62 = arith.constant 1.000000e+00 : f32
    %div3A_63 = vector.broadcast %div3A_62 : f32 to vector<4096x128xf32>
    %div3A_64 = arith.divf %div3A_63, %dot_general3A_61 : vector<4096x128xf32>
    %mul3A = arith.mulf %exp3A, %div3A_64 : vector<4096x128xf32>
    %log3A = math.log %dot_general3A_61 : vector<4096x128xf32>
    %add3A = vector.broadcast %broadcast_in_dim3A : vector<4096x1xf32> to vector<4096x128xf32>
    %add3A_65 = arith.addf %add3A, %log3A : vector<4096x128xf32>
    %mul3A_66 = arith.mulf %add3A_65, %add3A_65 : vector<4096x128xf32>
    %broadcast_in_dim3A_67 = arith.constant 1.000000e+00 : f32
    %broadcast_in_dim3A_68 = vector.broadcast %broadcast_in_dim3A_67 : f32 to vector<1x4096xf32>
    %dot_general3A_69 = arith.constant dense<0.000000e+00> : vector<1x128xf32>
    %dot_general3A_70 = tpu.matmul %broadcast_in_dim3A_68, %mul3A, %dot_general3A_69 {dimension_numbers = #tpu.dot_dimension_numbers<[1], [0], [0], [1], [0, 0, 1, 1], [], []>, transpose_lhs_hint = false} : vector<1x4096xf32>, vector<4096x128xf32>, vector<1x128xf32> -> vector<1x128xf32>
    %dot_general3A_71 = arith.constant dense<0.000000e+00> : vector<1x128xf32>
    %dot_general3A_72 = tpu.matmul %broadcast_in_dim3A_68, %mul3A_66, %dot_general3A_71 {dimension_numbers = #tpu.dot_dimension_numbers<[1], [0], [0], [1], [0, 0, 1, 1], [], []>, transpose_lhs_hint = false} : vector<1x4096xf32>, vector<4096x128xf32>, vector<1x128xf32> -> vector<1x128xf32>
    %slice3A = vector.extract_strided_slice %dot_general3A_70 {offsets = [0, 0], sizes = [1, 64], strides = [1, 1]} : vector<1x128xf32> to vector<1x64xf32>
    %slice3A_73 = vector.extract_strided_slice %dot_general3A_70 {offsets = [0, 64], sizes = [1, 64], strides = [1, 1]} : vector<1x128xf32> to vector<1x64xf32>
    %add3A_74 = arith.addf %slice3A, %slice3A_73 : vector<1x64xf32>
    %swap3A = arith.constant 0 : index
    %swap3A_75 = arith.constant 0 : index
    %swap3A_76 = arith.constant 0 : index
    %swap3A_77 = vector.load %arg2[%swap3A, %swap3A_75, %swap3A_76] : memref<1x1x64xf32, #tpu.memory_space<vmem>>, vector<1x1x64xf32>
    %swap3A_78 = vector.shape_cast %swap3A_77 : vector<1x1x64xf32> to vector<1x64xf32>
    %swap3A_79 = vector.shape_cast %add3A_74 : vector<1x64xf32> to vector<1x1x64xf32>
    tpu.vector_store %arg2[%swap3A, %swap3A_75, %swap3A_76], %swap3A_79 {strides = array<i32>} : memref<1x1x64xf32, #tpu.memory_space<vmem>>, vector<1x1x64xf32>,
    %eq3A_80 = arith.constant 0 : i32
    %eq3A_81 = arith.cmpi eq, %arg0, %eq3A_80 : i32
    %convert_element_type3A_82 = arith.extui %eq3A_81 : i1 to i32
    %cond3A = arith.constant 0 : i32
    %cond3A_83 = arith.cmpi ne, %convert_element_type3A_82, %cond3A : i32
    scf.if %cond3A_83 {
      %swap3A_102 = arith.constant 0.000000e+00 : f32
      %swap3A_103 = arith.constant 0 : index
      %swap3A_104 = arith.constant 0 : index
      %swap3A_105 = memref.load %arg4[%swap3A_103, %swap3A_104] : memref<1x1xf32, #tpu.memory_space<smem>>
      memref.store %swap3A_102, %arg4[%swap3A_103, %swap3A_104] : memref<1x1xf32, #tpu.memory_space<smem>>
    } else {
    }
    %get3A_84 = arith.constant 0 : index
    %get3A_85 = arith.constant 0 : index
    %get3A_86 = memref.load %arg4[%get3A_84, %get3A_85] : memref<1x1xf32, #tpu.memory_space<smem>>
    %reduce_sum3A = vector.shape_cast %dot_general3A_72 : vector<1x128xf32> to vector<1x1x128xf32>
    %reduce_sum3A_87 = arith.constant dense<0.000000e+00> : vector<1xf32>
    %reduce_sum3A_88 = vector.multi_reduction <add>, %reduce_sum3A, %reduce_sum3A_87 [1, 2] : vector<1x1x128xf32> to vector<1xf32>
    %reduce_sum3A_89 = vector.shape_cast %reduce_sum3A_88 : vector<1xf32> to vector<1x1x1xf32>
    %reduce_sum3A_90 = vector.extract %reduce_sum3A_89[0, 0, 0] : f32 from vector<1x1x1xf32>
    %mul3A_91 = arith.constant 1.562500e-02 : f32
    %mul3A_92 = arith.mulf %reduce_sum3A_90, %mul3A_91 : f32
    %add3A_93 = arith.addf %get3A_86, %mul3A_92 : f32
    %swap3A_94 = arith.constant 0 : index
    %swap3A_95 = arith.constant 0 : index
    %swap3A_96 = memref.load %arg4[%swap3A_94, %swap3A_95] : memref<1x1xf32, #tpu.memory_space<smem>>
    memref.store %add3A_93, %arg4[%swap3A_94, %swap3A_95] : memref<1x1xf32, #tpu.memory_space<smem>>
    %eq3A_97 = arith.constant 3 : i32
    %eq3A_98 = arith.cmpi eq, %arg0, %eq3A_97 : i32
    %convert_element_type3A_99 = arith.extui %eq3A_98 : i1 to i32
    %cond3A_100 = arith.constant 0 : i32
    %cond3A_101 = arith.cmpi ne, %convert_element_type3A_99, %cond3A_100 : i32
    scf.if %cond3A_101 {
      %get3A_102 = arith.constant 0 : index
      %get3A_103 = arith.constant 0 : index
      %get3A_104 = memref.load %arg4[%get3A_102, %get3A_103] : memref<1x1xf32, #tpu.memory_space<smem>>
      %broadcast_in_dim3A_105 = vector.broadcast %get3A_104 : f32 to vector<1x1xf32>
      %swap3A_106 = arith.constant 0 : index
      %swap3A_107 = arith.constant 0 : index
      %swap3A_108 = vector.load %arg3[%swap3A_106, %swap3A_107] : memref<1x1xf32, #tpu.memory_space<vmem>>, vector<1x1xf32>
      tpu.vector_store %arg3[%swap3A_106, %swap3A_107], %broadcast_in_dim3A_105 {strides = array<i32>} : memref<1x1xf32, #tpu.memory_space<vmem>>, vector<1x1xf32>,
    } else {
    }
    return
  }
  func.func @transform_0(%arg0: i32) -> (i32, i32) {
    %c0_i32 = arith.constant 0 : i32
    %c0_i32_0 = arith.constant 0 : i32
    return %arg0, %c0_i32 : i32, i32
  }
  func.func @transform_1(%arg0: i32) -> (i32, i32, i32) {
    %c0_i32 = arith.constant 0 : i32
    %c0_i32_0 = arith.constant 0 : i32
    %c0_i32_1 = arith.constant 0 : i32
    return %arg0, %c0_i32, %c0_i32_0 : i32, i32, i32
  }
  func.func @transform_2(%arg0: i32) -> (i32, i32) {
    %c0_i32 = arith.constant 0 : i32
    %c0_i32_0 = arith.constant 0 : i32
    %c0_i32_1 = arith.constant 0 : i32
    return %c0_i32, %c0_i32_0 : i32, i32
  }
}

</mosaic_0001>

<sc_bundles>
// kernel: kernel.4.cloned.1.call-start
scs
__scs_entry_jumppad:
0x0: {  	(pc) =	sbr.rel $0x88, $3  }
0x1: {  	(tag) =	ssettag $0x0;
	lr =	simm.s32 $0x1  }
0x2: {  	[smem:$0x3F9F] =	sst lr;
	_ =	strace $0xD0000000  }
0x3: {  	_ = 	snop  }
0x4: {  	_ = 	snop  }
0x5: {  	_ = 	snop  }
0x6: {  	_ = 	snop  }
0x7: {  	_ = 	snop  }
__scs_overlays_trampoline_lowered:
0x8: {  	[smem:$0x3FAE] =	sst s0  }
0x9: {  	[smem:$0x3FAF] =	sst s1  }
0xa: {  	[smem:$0x3FB0] =	sst s2  }
0xb: {  	[smem:$0x3FB1] =	sst s3  }
0xc: {  	[smem:$0x3FB2] =	sst s4  }
0xd: {  	[smem:$0x3FB3] =	sst s5  }
0xe: {  	[smem:$0x3FB4] =	sst s6  }
0xf: {  	[smem:$0x3FB5] =	sst s7  }
0x10: {  	[smem:$0x3FB6] =	sst s8  }
0x11: {  	[smem:$0x3FB7] =	sst s9;
	s0 =	simm.s32 @!p0 $0x0  }
0x12: {  	s1 =	sld [smem:$0x3F9D];
	s0 =	simm.s32 @p0 $0x1  }
0x13: {  	[smem:$0x3FB8] =	sst s0;
	s0 =	simm.s32 @!p1 $0x0  }
0x14: {  	s2 =	sld [smem:$0x3F9C];
	s0 =	simm.s32 @p1 $0x1  }
0x15: {  	[smem:$0x3FB9] =	sst s0;
	s0 =	simm.s32 @!p2 $0x0  }
0x16: {  	s3 =	sld [smem:$0x3FDB];
	s0 =	simm.s32 @p2 $0x1  }
0x17: {  	s4 =	simm.s32 $0x1BF5;
	[smem:$0x3FBB] =	sst s0  }
0x18: {  	s0 =	sld [smem:$0x3F9E];
	_ =	swait.ge [sflag:s4], $0x0  }
0x19: {  	s7 =	sld [smem:$0x3F9F]  }
0x1a: {  	s8 =	sadd.s32 $0xFFFFE003, lr  }
0x1b: {  	s9 =	sadd.s32 $0xFFFFFEF7, lr;
	s5 =	simm.s32 $0xFFFFFFFF;
	p2 =	slt.u32 s8, $0xFFFFF086  }
0x1c: {  	p1 =	slt.u32 s9, $0xF7A;
	s5 =	simm.s32 @!p2 $0x0  }
0x1d: {  	s5 =	simm.s32 @p1 $0x1;
	p0 =	seq.s32 s7, s2  }
0x1e: {  	s7 =	smul.u32 @!p0 $0xF7A, s2;
	p2 =	seq.s32 @!p0 s5, $0x0  }
0x1f: {  	s9 =	smul.u32 $0xF7A, s1;
	s8 =	simm.s32 @!p0 $0x1BF5;
	p2 =	por !p2, p0  }
0x20: {  	[sflag:s8] =	ssyncset.s32 @!p0 $0xFFFFF086;
	s6 =	sadd.s32 @!p0 s3, s7;
	s7 =	simm.s32 @!p0 $0x108  }
0x21: {  	s3 =	sadd.s32 s3, s9;
	s6 =	sadd.s32 @!p0 $0x88, s6;
	s7 =	simm.s32 @p2 $0x1082  }
0x22: {  	[simem:s7], [sflag:s8] =	dma.local @!p0 [hbm:s6], $0xF7A  }
0x23: {  	s9 =	sor.u32 $0xD0000000, s2;
	s6 =	simm.s32 $0x108;
	_ =	swait.ge @!p0 [sflag:s8], $0x0  }
0x24: {  	s3 =	sadd.s32 $0x88, s3;
	s6 =	simm.s32 @!p1 $0x1082;
	[sflag:s4] =	ssyncset.s32 $0xFFFFF086  }
0x25: {  	[simem:s6], [sflag:s4] =	dma.local [hbm:s3], $0xF7A  }
0x26: {  	[smem:$0x3F9F] =	sst s1;
	(tag) =	ssettag s2;
	_ =	strace s9  }
0x27: {  	s1 =	sld [smem:$0x3FAF]  }
0x28: {  	s2 =	sld [smem:$0x3FB0]  }
0x29: {  	s4 =	sld [smem:$0x3FB2]  }
0x2a: {  	p0 =	seq.s32 s5, $0x0;
	s5 =	sld [smem:$0x3FB3]  }
0x2b: {  	s6 =	sld [smem:$0x3FB4]  }
0x2c: {  	s7 =	sld [smem:$0x3FB5]  }
0x2d: {  	s3 =	simm.s32 $0x108;
	s8 =	sld [smem:$0x3FB6]  }
0x2e: {  	s3 =	simm.s32 @!p0 $0x1082;
	s9 =	sld [smem:$0x3FB7]  }
0x2f: {  	lr =	sadd.s32 s0, s3;
	s0 =	sld [smem:$0x3FAE]  }
0x30: {  	s3 =	sld [smem:$0x3FB1]  }
0x31: {  	[smem:$0x3FBA] =	sst s10  }
0x32: {  	s10 =	sld [smem:$0x3FB8];
	_ =	sdelay $0x3  }
0x33: {  	p0 =	seq.s32 s10, $0x1;
	s10 =	sld [smem:$0x3FBA];
	_ =	sdelay $0x3  }
0x34: {  	[smem:$0x3FBA] =	sst s10  }
0x35: {  	s10 =	sld [smem:$0x3FB9];
	_ =	sdelay $0x3  }
0x36: {  	p1 =	seq.s32 s10, $0x1;
	s10 =	sld [smem:$0x3FBA];
	_ =	sdelay $0x3  }
0x37: {  	[smem:$0x3FBA] =	sst s10  }
0x38: {  	s10 =	sld [smem:$0x3FBB]  }
0x39: {  	_ = 	snop;
	(pc) =	sbr.ind lr, $3  }
0x3a: {  	_ = 	snop  }
0x3b: {  	_ = 	snop  }
0x3c: {  	p2 =	seq.s32 s10, $0x1;
	s10 =	sld [smem:$0x3FBA]  }
0x3d: {  	_ =	shalt  }
0x3e: {  	_ =	shalt  }
0x3f: {  	_ =	shalt  }
0x40: {  	_ =	shalt  }
0x41: {  	_ =	shalt  }
0x42: {  	_ =	shalt  }
0x43: {  	_ =	shalt  }
0x44: {  	_ =	shalt  }
0x45: {  	_ =	shalt  }
0x46: {  	_ =	shalt  }
0x47: {  	_ =	shalt  }
0x48: {  	_ =	shalt  }
0x49: {  	_ =	shalt  }
0x4a: {  	_ =	shalt  }
0x4b: {  	_ =	shalt  }
0x4c: {  	_ =	shalt  }
0x4d: {  	_ =	shalt  }
0x4e: {  	_ =	shalt  }
0x4f: {  	_ =	shalt  }
0x50: {  	_ =	shalt  }
0x51: {  	_ =	shalt  }
0x52: {  	_ =	shalt  }
0x53: {  	_ =	shalt  }
0x54: {  	_ =	shalt  }
0x55: {  	_ =	shalt  }
0x56: {  	_ =	shalt  }
0x57: {  	_ =	shalt  }
0x58: {  	_ =	shalt  }
0x59: {  	_ =	shalt  }
0x5a: {  	_ =	shalt  }
0x5b: {  	_ =	shalt  }
0x5c: {  	_ =	shalt  }
0x5d: {  	_ =	shalt  }
0x5e: {  	_ =	shalt  }
0x5f: {  	_ =	shalt  }
0x60: {  	_ =	shalt  }
0x61: {  	_ =	shalt  }
0x62: {  	_ =	shalt  }
0x63: {  	_ =	shalt  }
0x64: {  	_ =	shalt  }
0x65: {  	_ =	shalt  }
0x66: {  	_ =	shalt  }
0x67: {  	_ =	shalt  }
0x68: {  	_ =	shalt  }
0x69: {  	_ =	shalt  }
0x6a: {  	_ =	shalt  }
0x6b: {  	_ =	shalt  }
0x6c: {  	_ =	shalt  }
0x6d: {  	_ =	shalt  }
0x6e: {  	_ =	shalt  }
0x6f: {  	_ =	shalt  }
0x70: {  	_ =	shalt  }
0x71: {  	_ =	shalt  }
0x72: {  	_ =	shalt  }
0x73: {  	_ =	shalt  }
0x74: {  	_ =	shalt  }
0x75: {  	_ =	shalt  }
0x76: {  	_ =	shalt  }
0x77: {  	_ =	shalt  }
0x78: {  	_ =	shalt  }
0x79: {  	_ =	shalt  }
0x7a: {  	_ =	shalt  }
0x7b: {  	_ =	shalt  }
0x7c: {  	_ =	shalt  }
0x7d: {  	_ =	shalt  }
0x7e: {  	_ =	shalt  }
0x7f: {  	_ =	shalt  }
0x80: {  	_ =	shalt  }
0x81: {  	_ =	shalt  }
0x82: {  	_ =	shalt  }
0x83: {  	_ =	shalt  }
0x84: {  	_ =	shalt  }
0x85: {  	_ =	shalt  }
0x86: {  	_ =	shalt  }
0x87: {  	_ =	shalt  }
.Lfunc_end0:
.L_simem_size_0:
called_computation_lowered:
.L_overlay_start_0:
0x88: {  	s2 =	sld [smem:$0x3FD9]  }
0x89: {  	s3 =	sld [smem:$0x3FFE];
	_ =	sdelay $0x1  }
0x8a: {  	s1 =	srdreg.scid  }
0x8b: {  	s0 =	sand.u32 $0x1, s1  }
0x8c: {  	s16 =	sshll.u32 s0, $0xA;
	s2 =	sadd.s32 s3, s2  }
0x8d: {  	s2 =	sadd.s32 s2, s16  }
0x8e: {  	[smem:$0x3FC6] =	sst s2  }
0x8f: {  	_ = 	snop  }
0x90: {  	(tm) =	ssettm $0x1  }
0x91: {  	s17 =	sld [smem:$0x3FFB];
	_ =	sdelay $0x3  }
0x92: {  	_ =	strace s17  }
0x93: {  	s2 =	sld [smem:$0x3FFC];
	_ =	sdelay $0x3  }
0x94: {  	_ =	strace s2  }
0x95: {  	s2 =	sld [smem:$0x3FFD];
	_ =	sdelay $0x3  }
0x96: {  	_ =	strace s2  }
0x97: {  	_ =	strace $0x8FFFFFFF  }
0x98: {  	s18 =	sld [smem:$0x3FDB];
	_ =	sdelay $0x1  }
0x99: {  	s19 =	simm.s32 $_scs_section_size  }
0x9a: {  	s4 =	simm.s32 $_size__tile_overlayer_lowered;
	s5 =	simm.s32 $_tile_overlayer_lowered  }
0x9b: {  	s22 =	simm.s32 $0x1BFF;
	s21 =	sshll.u32 s5, $0x1;
	s2 =	sadd.s32 s19, s18  }
0x9c: {  	s6 =	simm.s32 $0x0;
	s20 =	sshll.u32 s4, $0x1;
	s4 =	sadd.s32 s21, s2  }
0x9d: {  	[timem:s6], [sflag:s22] =	dma.local [hbm:s4], s20  }
0x9e: {  	_ =	swait.ge [sflag:s22], s20  }
0x9f: {  	s3 =	ssub.s32 $0x0, s20;
	[sflag:s22] =	ssyncset.done $0x0  }
0xa0: {  	[sflag:s22] =	ssyncadd.s32 s3;
	_ =	sdelay $0x1  }
0xa1: {  	s23 =	simm.s32 $0x1B8B  }
0xa2: {  	_ =	swait.ge [sflag:s23], $0x1  }
0xa3: {  	[sflag:s23] =	ssyncset.done $0x0  }
0xa4: {  	s25 =	simm.s32 $0x1B8E;
	s24 =	sld [smem:$0x3FFE];
	[sflag:s23] =	ssyncadd.s32 $0xFFFFFFFF  }
0xa5: {  	s26 =	simm.s32 $execute0_lowered;
	[smem:$0x3FD2] =	sst s25  }
0xa6: {  	s4 =	sshll.u32 s26, $0x1;
	_ =	strace $0x80000046;
	[dreg:$0x1] =	wrdreg $0xFFFFFFFF  }
0xa7: {  	s28 =	simm.s32 $_size_execute0_lowered;
	s2 =	sadd.s32 s2, s4;
	[dreg:$0x0] =	wrdreg $0x0  }
0xa8: {  	s4 =	sshll.u32 s28, $0x1;
	[dreg:$0x2] =	wrdreg s2  }
0xa9: {  	[dreg:$0x3] =	wrdreg s4  }
0xaa: {  	[dreg:$0x4] =	wrdreg $0xC0  }
0xab: {  	_ =	task [dreg:s6], $0x5FFFF  }
0xac: {  	[dreg:$0x1] =	wrdreg $0xFFFFFFFF  }
0xad: {  	[dreg:$0x0] =	wrdreg $0x60  }
0xae: {  	[dreg:$0x2] =	wrdreg s24  }
0xaf: {  	[dreg:$0x3] =	wrdreg $0x19000  }
0xb0: {  	[dreg:$0x4] =	wrdreg $0x9  }
0xb1: {  	_ =	task.clear_ibuf [dreg:s6], $0x5FFFF;
	_ =	strace $0x90000046  }
0xb2: {  	s29 =	simm.s32 $0x9;
	_ =	strace $0x80000048  }
0xb3: {  	_ =	swait.ge [sflag:s29], $0x1  }
0xb4: {  	[sflag:s29] =	ssyncadd.s32 $0xFFFFFFFF  }
0xb5: {  	_ =	strace $0x90000048  }
0xb6: {  	_ =	sfence  }
0xb7: {  	s30 =	sld [smem:$0x0];
	_ =	sdelay $0x2  }
0xb8: {  	s31 =	sshll.u32 s1, $0xD;
	s1 =	sshrl.u32 s1, $0x2  }
0xb9: {  	s3 =	sand.u32 $0x4000, s31;
	s1 =	sadd.s32 s1, s30  }
0xba: {  	s0 =	sor.u32 s3, s0;
	s1 =	sshll.u32 s1, $0x11  }
0xbb: {  	s0 =	sor.u32 s1, s0  }
0xbc: {  	s0 =	sadd.s32 $0x8F2B, s0  }
0xbd: {  	[sflag:s0] =	ssyncadd.remote.s32 $0x1  }
0xbe: {  	_ =	sfence.sel $0xFFFF  }
0xbf: {  	[dreg:$0x0] =	wrdreg $0xFFFFFFFF;
	(pc) =	sbr.abs _section_cstart, $3  }
0xc0: {  	[dreg:$0x1] =	wrdreg $0xFFFFFFFF  }
0xc1: {  	_ =	task.clear_ibuf [dreg:s6], $0x2FFFF;
	_ =	strace $0x9FFFFFFF  }
0xc2: {  	(tm) =	ssettm $0x7FFFFFFF  }
0xc3: {  	_ =	shalt  }
tec
execute0_lowered:
.L_overlay_start_1:
0x0: {  	(tag) =	ssettag $0x1  }
0x1: {  	s0 =	srdreg.scid  }
0x2: {  	s2 =	stileid.u32;
	s5 =	simm.s32 $0x1;
	s6 =	rddreg [dreg:$0x0]  }
0x3: {  	s9 =	simm.s32 $0x0;
	s28 =	simm.s32 $0x1400;
	s29 =	simm.s32 $0xC80  }
0x4: {  	s30 =	simm.s32 $0x1480;
	s31 =	simm.s32 $0xD00;
	s10 =	simm.s32 $0xE00  }
0x5: {  	s11 =	simm.s32 $0x1600;
	s12 =	simm.s32 $0xE80;
	s0 =	sand.u32 $0x1, s0  }
0x6: {  	s13 =	simm.s32 $0x1680;
	s14 =	simm.s32 $0xF00;
	s4 =	sshll.u32 s0, $0x4  }
0x7: {  	s15 =	simm.s32 $0x1700;
	s3 =	sand.u32 $0x7, s2;
	s1 =	sor.u32 s2, s4  }
0x8: {  	s17 =	simm.s32 $0x1780;
	p1 =	sne.s32 s3, $0x0;
	p0 =	seq.s32 s1, $0x0  }
0x9: {  	v0 =	vimm.s32 $0xEFCDAB89;
	s18 =	simm.s32 $0x0;
	[smem:$0x7FF] =	sst s9;
	p0 =	por !p1, !p0  }
0xa: {  	v1 =	vimm.s32 $0x67452301;
	v2 =	vimm.f32 $0.0e+00;
	vm0 =	vcmask $0x300;
	s9 =	simm.s32 $0x2;
	s3 =	sshll.u32 s3, $0xD;
	p0 =	por !p0, !p0  }
0xb: {  	vm9 =	vcmask $0xB08;
	vm10 =	vcmask $0x1310;
	v2 =	vsel vm0, $0x3F800000, v2;
	s0 =	ssub.s32 $0x2, s0;
	s7 =	sshrl.u32 s1, $0x3;
	s5 =	simm.s32 @!p0 $0x0  }
0xc: {  	v0 =	vunpack.c.l.s4.s8 v0;
	v1 =	vunpack.c.l.s4.s8 v1;
	v2 =	vsel vm9, $0x3F800000, v2;
	s26 =	sshrl.u32 s0, $0x1;
	s1 =	rddreg [dreg:$0x1];
	s5 =	ssub.s32 s7, s5  }
0xd: {  	vm11 =	vcmask $0x1B18;
	vm12 =	vcmask $0x2320;
	v2 =	vsel vm10, $0x3F800000, v2;
	_ =	strace $0x80000047;
	s0 =	ssub.s32 s0, s26;
	s7 =	sshll.u32 s5, $0xE  }
0xe: {  	v0 =	vunpack.c.0.s8.s32 v0;
	v1 =	vunpack.c.0.s8.s32 v1;
	s26 =	simm.s32 $0xC00;
	v2 =	vsel vm11, $0x3F800000, v2;
	s8 =	sshll.u32 s5, $0x7;
	s7 =	sand.u32 $0xFFFF0000, s7  }
0xf: {  	vm13 =	vcmask $0x2B28;
	v2 =	vsel vm12, $0x3F800000, v2;
	p0 =	sne.s32 s2, $0x0;
	s25 =	sand.u32 $0x180, s8;
	s3 =	sor.u32 s3, s7  }
0x10: {  	vm14 =	vcmask $0x3330;
	v1 =	vcombine.low v1, v0;
	v0 =	vsel vm13, $0x3F800000, v2;
	s2 =	simm.s32 $0xD80;
	s16 =	sshll.u32 s5, $0x6;
	s7 =	sor.u32 s25, s3  }
0x11: {  	v2 =	vsel vm14, $0x3F800000, v0;
	s8 =	simm.s32 $0x1580;
	v0 =	vmov s16;
	s16 =	simm.s32 $0xF80;
	s7 =	sshrl.u32 s7, $0x3  }
0x12: {  	s3 =	simm.s32 $0x1;
	s7 =	sadd.s32 s7, s6;
	s6 =	sadd.s32 s4, s6  }
0x13: {  	vm15 =	vcmask $0x3B38;
	s25 =	simm.s32 $0x1380;
	s4 =	sadd.s32 $0x400, s7;
	s5 =	sadd.s32 $0x2400, s6  }
0x14: {  	v1 =	vand.u32 $0xF, v1;
	v2 =	vsel vm15, $0x3F800000, v2;
	s6 =	smax.u32 s0, $0x1;
	s7 =	simm.s32 $0x80;
	s0 =	simm.s32 $0x1500  }
.LBB2_1:
0x15: {  	s19 =	simm.s32 $0x0;
	s20 =	simm.s32 $0x200  }
0x16: {  	[tilespmem:s19], [sflag:$0x2] =	stream.strided.gather [hbm4b:s4+s7], $0x800, s20, s7, $0x38;
	[tilespmem:$0x1910] =	vst v63  }
0x17: {  	_ =	swait.ge [sflag:s9], $0x800  }
0x18: {  	[sflag:s9] =	ssyncset.done $0x0  }
0x19: {  	s19 =	simm.s32 $0x0;
	[sflag:s9] =	ssyncadd.s32 $0xFFFFF800  }
0x1a: {  	v4 =	vld [tilespmem:s19+$0x70]  }
0x1b: {  	v5 =	vld [tilespmem:s19+$0x0]  }
0x1c: {  	v6 =	vld [tilespmem:s19+$0x10]  }
0x1d: {  	v7 =	vld [tilespmem:s19+$0x20]  }
0x1e: {  	v8 =	vld [tilespmem:s19+$0x30]  }
0x1f: {  	v9 =	vld [tilespmem:s19+$0x40];
	v3 =	vadd.s32 v0, v4;
	v11 =	vperm.xlane v4, v1  }
0x20: {  	v10 =	vld [tilespmem:s19+$0x50];
	v12 =	vadd.s32 v0, v5;
	v13 =	vperm.xlane v5, v1;
	[tilespmem:s19+$0x870] =	vst v3  }
0x21: {  	v63 =	vperm.xlane v6, v1;
	v14 =	vadd.s32 v0, v6;
	[tilespmem:s19+$0x800] =	vst v12;
	v3 =	vld [tilespmem:s19+$0x60];
	vm0 =	veq.s32 v4, v11  }
0x22: {  	[tilespmem:s19+$0x810] =	vst v14;
	vm1 =	veq.s32 v5, v13;
	v4 =	vperm.xlane v7, v1;
	v5 =	vnsel vm0, $0x3F800000, v2  }
0x23: {  	vm10 =	veq.s32 v6, v63;
	v6 =	vperm.xlane v8, v1;
	v11 =	vnsel vm1, $0x3F800000, v2;
	[tilespmem:s19+$0x1070] =	vst v5  }
0x24: {  	[tilespmem:s19+$0x1000] =	vst v11;
	v5 =	vnsel vm10, $0x3F800000, v2;
	vm11 =	veq.s32 v7, v4;
	v4 =	vperm.xlane v9, v1  }
0x25: {  	vm12 =	veq.s32 v8, v6;
	v6 =	vperm.xlane v10, v1;
	[tilespmem:s19+$0x1010] =	vst v5;
	v5 =	vnsel vm11, $0x3F800000, v2  }
0x26: {  	[tilespmem:s19+$0x1020] =	vst v5;
	v5 =	vnsel vm12, $0x3F800000, v2;
	vm13 =	veq.s32 v9, v4;
	v11 =	vperm.xlane v3, v1  }
0x27: {  	v4 =	vadd.s32 v0, v7;
	vm14 =	veq.s32 v10, v6;
	[tilespmem:s19+$0x1030] =	vst v5;
	v7 =	vnsel vm13, $0x3F800000, v2  }
0x28: {  	v5 =	vadd.s32 v0, v8;
	v8 =	vnsel vm14, $0x3F800000, v2;
	[tilespmem:s19+$0x1040] =	vst v7;
	vm15 =	veq.s32 v3, v11  }
0x29: {  	s21 =	simm.s32 $0x400;
	s20 =	simm.s32 $0x80;
	v6 =	vadd.s32 v0, v10;
	v7 =	vadd.s32 v0, v9;
	[tilespmem:s19+$0x1050] =	vst v8;
	v8 =	vnsel vm15, $0x3F800000, v2  }
.LBB2_2:
0x2a: {  	p1 =	sne.s32 s21, $0x1E00;
	v9 =	vld [tilespmem:s20+$0x70];
	v3 =	vadd.s32 v0, v3;
	[tilespmem:s19+$0x1060] =	vst v8  }
0x2b: {  	v8 =	vld [tilespmem:s20+$0x0];
	[tilespmem:s19+$0x820] =	vst v4  }
0x2c: {  	v4 =	vld [tilespmem:s20+$0x10];
	[tilespmem:s19+$0x830] =	vst v5  }
0x2d: {  	v5 =	vld [tilespmem:s20+$0x20];
	[tilespmem:s19+$0x840] =	vst v7  }
0x2e: {  	v7 =	vld [tilespmem:s20+$0x30];
	[tilespmem:s19+$0x850] =	vst v6  }
0x2f: {  	v6 =	vld [tilespmem:s20+$0x40];
	v10 =	vperm.xlane v9, v1;
	v11 =	vadd.s32 v0, v9;
	[tilespmem:s19+$0x860] =	vst v3;
	s19 =	smov.u32 s20  }
0x30: {  	v12 =	vperm.xlane v8, v1;
	v3 =	vadd.s32 v0, v8;
	v13 =	vld [tilespmem:s19+$0x50];
	[tilespmem:s19+$0x870] =	vst v11  }
0x31: {  	[tilespmem:s19+$0x800] =	vst v3;
	v11 =	vperm.xlane v4, v1;
	v14 =	vadd.s32 v0, v4;
	v3 =	vld [tilespmem:s19+$0x60];
	vm0 =	veq.s32 v9, v10  }
0x32: {  	vm1 =	veq.s32 v8, v12;
	[tilespmem:s19+$0x810] =	vst v14;
	v8 =	vperm.xlane v5, v1;
	v9 =	vnsel vm0, $0x3F800000, v2  }
0x33: {  	v10 =	vnsel vm1, $0x3F800000, v2;
	vm0 =	veq.s32 v4, v11;
	v4 =	vperm.xlane v7, v1;
	[tilespmem:s19+$0x1070] =	vst v9  }
0x34: {  	[tilespmem:s19+$0x1000] =	vst v10;
	v9 =	vnsel vm0, $0x3F800000, v2;
	vm0 =	veq.s32 v5, v8;
	v8 =	vperm.xlane v6, v1  }
.Ltmp0:
0x35: {  	[tilespmem:s19+$0x1010] =	vst v9;
	v9 =	vnsel vm0, $0x3F800000, v2;
	vm0 =	veq.s32 v7, v4;
	v10 =	vperm.xlane v13, v1;
	(pc) =	sbr.rel @p1 .LBB2_2-.Ltmp0, $4  }
0x36: {  	[tilespmem:s19+$0x1020] =	vst v9;
	v9 =	vnsel vm0, $0x3F800000, v2;
	vm0 =	veq.s32 v6, v8;
	v8 =	vperm.xlane v3, v1  }
0x37: {  	v4 =	vadd.s32 v0, v5;
	[tilespmem:s19+$0x1030] =	vst v9;
	v9 =	vnsel vm0, $0x3F800000, v2;
	vm0 =	veq.s32 v13, v10  }
0x38: {  	v5 =	vadd.s32 v0, v7;
	[tilespmem:s19+$0x1040] =	vst v9;
	v9 =	vnsel vm0, $0x3F800000, v2;
	vm0 =	veq.s32 v3, v8  }
0x39: {  	s20 =	sshra.s32 s21, $0x2;
	s21 =	sadd.s32 $0x200, s21;
	v7 =	vadd.s32 v0, v6;
	v6 =	vadd.s32 v0, v13;
	[tilespmem:s19+$0x1050] =	vst v9;
	v8 =	vnsel vm0, $0x3F800000, v2  }
0x3a: {  	v9 =	vld [tilespmem:s20+$0x70];
	[tilespmem:s19+$0x1060] =	vst v8  }
0x3b: {  	v8 =	vld [tilespmem:s20+$0x0];
	[tilespmem:s19+$0x820] =	vst v4  }
0x3c: {  	v4 =	vld [tilespmem:s20+$0x10];
	[tilespmem:s19+$0x830] =	vst v5  }
0x3d: {  	v5 =	vld [tilespmem:s20+$0x20];
	[tilespmem:s19+$0x840] =	vst v7  }
0x3e: {  	v3 =	vadd.s32 v0, v3;
	v7 =	vld [tilespmem:s20+$0x30];
	[tilespmem:s19+$0x850] =	vst v6  }
0x3f: {  	v6 =	vld [tilespmem:s20+$0x40];
	[tilespmem:s19+$0x860] =	vst v3;
	v3 =	vadd.s32 v0, v9;
	v11 =	vperm.xlane v9, v1  }
0x40: {  	v12 =	vadd.s32 v0, v8;
	[tilespmem:s20+$0x870] =	vst v3  }
0x41: {  	v3 =	vperm.xlane v8, v1;
	[tilespmem:s20+$0x800] =	vst v12;
	v13 =	vadd.s32 v0, v4;
	vm0 =	veq.s32 v9, v11  }
0x42: {  	v10 =	vld [tilespmem:s20+$0x50];
	v52 =	vperm.xlane v4, v1;
	[tilespmem:s20+$0x810] =	vst v13;
	v53 =	vnsel vm0, $0x3F800000, v2  }
0x43: {  	v14 =	vld [tilespmem:s20+$0x60];
	vm1 =	veq.s32 v8, v3;
	v61 =	vadd.s32 v0, v5;
	[tilespmem:s20+$0x1070] =	vst v53  }
0x44: {  	v3 =	vperm.xlane v5, v1;
	v54 =	vnsel vm1, $0x3F800000, v2;
	vm10 =	veq.s32 v4, v52;
	[tilespmem:s20+$0x820] =	vst v61  }
0x45: {  	[tilespmem:s20+$0x1000] =	vst v54;
	v56 =	vnsel vm10, $0x3F800000, v2  }
0x46: {  	v55 =	vperm.xlane v7, v1;
	vm11 =	veq.s32 v5, v3;
	v62 =	vadd.s32 v0, v6;
	[tilespmem:s20+$0x1010] =	vst v56  }
0x47: {  	v3 =	vperm.xlane v6, v1;
	v57 =	vnsel vm11, $0x3F800000, v2;
	[tilespmem:s20+$0x840] =	vst v62  }
0x48: {  	vm12 =	veq.s32 v7, v55;
	v58 =	vperm.xlane v10, v1;
	v63 =	vadd.s32 v0, v14;
	[tilespmem:s20+$0x1020] =	vst v57  }
0x49: {  	v59 =	vnsel vm12, $0x3F800000, v2;
	vm13 =	veq.s32 v6, v3;
	v3 =	vperm.xlane v14, v1;
	[tilespmem:s20+$0x860] =	vst v63  }
0x4a: {  	[tilespmem:s20+$0x1030] =	vst v59;
	v60 =	vnsel vm13, $0x3F800000, v2;
	vm14 =	veq.s32 v10, v58  }
0x4b: {  	[tilespmem:s20+$0x1040] =	vst v60;
	v4 =	vnsel vm14, $0x3F800000, v2;
	vm15 =	veq.s32 v14, v3  }
0x4c: {  	[tilespmem:s20+$0x1050] =	vst v4;
	v3 =	vnsel vm15, $0x3F800000, v2  }
0x4d: {  	[tilespmem:s20+$0x1060] =	vst v3;
	v3 =	vadd.s32 v0, v7  }
0x4e: {  	[tilespmem:s20+$0x830] =	vst v3;
	v3 =	vadd.s32 v0, v10  }
0x4f: {  	[tilespmem:s20+$0x850] =	vst v3;
	v3 =	vimm.f32 @!p0 $0.0e+00  }
0x50: {  	[tilespmem:$0x1800] =	vst @!p0 v3  }
0x51: {  	[tilespmem:$0x1810] =	vst @!p0 v3  }
0x52: {  	[tilespmem:$0x1820] =	vst @!p0 v3  }
0x53: {  	[tilespmem:$0x1830] =	vst @!p0 v3  }
0x54: {  	[tilespmem:$0x1840] =	vst @!p0 v3  }
0x55: {  	[tilespmem:$0x1850] =	vst @!p0 v3  }
0x56: {  	[tilespmem:$0x1860] =	vst @!p0 v3  }
0x57: {  	[tilespmem:$0x1870] =	vst @!p0 v3  }
0x58: {  	[tilespmem:$0x1880] =	vst @!p0 v3  }
0x59: {  	[tilespmem:$0x1890] =	vst @!p0 v3  }
0x5a: {  	[tilespmem:$0x18A0] =	vst @!p0 v3  }
0x5b: {  	[tilespmem:$0x18B0] =	vst @!p0 v3  }
0x5c: {  	[tilespmem:$0x18C0] =	vst @!p0 v3  }
0x5d: {  	[tilespmem:$0x18D0] =	vst @!p0 v3  }
0x5e: {  	[tilespmem:$0x18E0] =	vst @!p0 v3  }
0x5f: {  	s19 =	simm.s32 @!p0 $0x1800;
	[tilespmem:$0x18F0] =	vst @!p0 v3  }
0x60: {  	[spmem:s1] =	stream.linear.scatter @!p0 [tilespmem:s19], [sflag:$0x2], $0x100, $0x38;
	[tilespmem:$0x1910] =	vst v63  }
0x61: {  	s19 =	simm.s32 @!p0 $0x2  }
0x62: {  	_ =	swait.ge @!p0 [sflag:s19], $0x100  }
0x63: {  	[sflag:s19] =	ssyncset.done @!p0 $0x0  }
0x64: {  	[sflag:s19] =	ssyncadd.s32 @!p0 $0xFFFFFF00  }
0x65: {  	s22 =	simm.s32 $0x800;
	s21 =	simm.s32 $0x1000;
	[bflag:$0x0] =	sbarrier.arrive $0xFFFF  }
0x66: {  	[spmem:s1] =	stream.indirect.scatter.add.f32 [tilespmem:s21], [sflag:$0x1], $0x1, s22, s7, $0xb8;
	[tilespmem:$0x1910] =	vst v63  }
0x67: {  	s23 =	simm.s32 $0x880;
	s24 =	simm.s32 $0x1080  }
0x68: {  	[spmem:s1] =	stream.indirect.scatter.add.f32 [tilespmem:s24], [sflag:$0x1], $0x1, s23, s7, $0xb8;
	[tilespmem:$0x1910] =	vst v63  }
0x69: {  	s21 =	simm.s32 $0x900;
	s22 =	simm.s32 $0x1100  }
0x6a: {  	[spmem:s1] =	stream.indirect.scatter.add.f32 [tilespmem:s22], [sflag:$0x1], $0x1, s21, s7, $0xb8;
	[tilespmem:$0x1910] =	vst v63  }
0x6b: {  	s23 =	simm.s32 $0x980;
	s24 =	simm.s32 $0x1180  }
0x6c: {  	[spmem:s1] =	stream.indirect.scatter.add.f32 [tilespmem:s24], [sflag:$0x1], $0x1, s23, s7, $0xb8;
	[tilespmem:$0x1910] =	vst v63  }
0x6d: {  	s21 =	simm.s32 $0xA00;
	s22 =	simm.s32 $0x1200  }
0x6e: {  	[spmem:s1] =	stream.indirect.scatter.add.f32 [tilespmem:s22], [sflag:$0x1], $0x1, s21, s7, $0xb8;
	[tilespmem:$0x1910] =	vst v63  }
0x6f: {  	s23 =	simm.s32 $0xA80;
	s24 =	simm.s32 $0x1280  }
0x70: {  	[spmem:s1] =	stream.indirect.scatter.add.f32 [tilespmem:s24], [sflag:$0x1], $0x1, s23, s7, $0xb8;
	[tilespmem:$0x1910] =	vst v63  }
0x71: {  	s22 =	simm.s32 $0xB00;
	s23 =	simm.s32 $0x1300  }
0x72: {  	[spmem:s1] =	stream.indirect.scatter.add.f32 [tilespmem:s23], [sflag:$0x1], $0x1, s22, s7, $0xb8;
	[tilespmem:$0x1910] =	vst v63  }
0x73: {  	s24 =	simm.s32 $0xB80  }
0x74: {  	[spmem:s1] =	stream.indirect.scatter.add.f32 [tilespmem:s25], [sflag:$0x1], $0x1, s24, s7, $0xb8;
	[tilespmem:$0x1910] =	vst v63  }
0x75: {  	_ = 	snop  }
0x76: {  	[spmem:s1] =	stream.indirect.scatter.add.f32 [tilespmem:s28], [sflag:$0x1], $0x1, s26, s7, $0xb8;
	[tilespmem:$0x1910] =	vst v63  }
0x77: {  	_ = 	snop  }
0x78: {  	[spmem:s1] =	stream.indirect.scatter.add.f32 [tilespmem:s30], [sflag:$0x1], $0x1, s29, s7, $0xb8;
	[tilespmem:$0x1910] =	vst v63  }
0x79: {  	_ = 	snop  }
0x7a: {  	[spmem:s1] =	stream.indirect.scatter.add.f32 [tilespmem:s0], [sflag:$0x1], $0x1, s31, s7, $0xb8;
	[tilespmem:$0x1910] =	vst v63  }
0x7b: {  	_ = 	snop  }
0x7c: {  	[spmem:s1] =	stream.indirect.scatter.add.f32 [tilespmem:s8], [sflag:$0x1], $0x1, s2, s7, $0xb8;
	[tilespmem:$0x1910] =	vst v63  }
0x7d: {  	_ = 	snop  }
0x7e: {  	[spmem:s1] =	stream.indirect.scatter.add.f32 [tilespmem:s11], [sflag:$0x1], $0x1, s10, s7, $0xb8;
	[tilespmem:$0x1910] =	vst v63  }
0x7f: {  	_ = 	snop  }
0x80: {  	[spmem:s1] =	stream.indirect.scatter.add.f32 [tilespmem:s13], [sflag:$0x1], $0x1, s12, s7, $0xb8;
	[tilespmem:$0x1910] =	vst v63  }
0x81: {  	_ = 	snop  }
0x82: {  	[spmem:s1] =	stream.indirect.scatter.add.f32 [tilespmem:s15], [sflag:$0x1], $0x1, s14, s7, $0xb8;
	[tilespmem:$0x1910] =	vst v63  }
0x83: {  	_ = 	snop  }
0x84: {  	[spmem:s1] =	stream.indirect.scatter.add.f32 [tilespmem:s17], [sflag:$0x1], $0x1, s16, s7, $0xb8;
	[tilespmem:$0x1910] =	vst v63  }
0x85: {  	_ =	swait.ge [sflag:s3], $0x80  }
0x86: {  	[sflag:s3] =	ssyncset.done $0x0  }
0x87: {  	[sflag:s3] =	ssyncadd.s32 $0xFFFFFF80  }
0x88: {  	_ =	swait.ge [sflag:s3], $0x80  }
0x89: {  	[sflag:s3] =	ssyncset.done $0x0  }
0x8a: {  	[sflag:s3] =	ssyncadd.s32 $0xFFFFFF80  }
0x8b: {  	_ =	swait.ge [sflag:s3], $0x80  }
0x8c: {  	[sflag:s3] =	ssyncset.done $0x0  }
0x8d: {  	[sflag:s3] =	ssyncadd.s32 $0xFFFFFF80  }
0x8e: {  	_ =	swait.ge [sflag:s3], $0x80  }
0x8f: {  	[sflag:s3] =	ssyncset.done $0x0  }
0x90: {  	[sflag:s3] =	ssyncadd.s32 $0xFFFFFF80  }
0x91: {  	_ =	swait.ge [sflag:s3], $0x80  }
0x92: {  	[sflag:s3] =	ssyncset.done $0x0  }
0x93: {  	[sflag:s3] =	ssyncadd.s32 $0xFFFFFF80  }
0x94: {  	_ =	swait.ge [sflag:s3], $0x80  }
0x95: {  	[sflag:s3] =	ssyncset.done $0x0  }
0x96: {  	[sflag:s3] =	ssyncadd.s32 $0xFFFFFF80  }
0x97: {  	_ =	swait.ge [sflag:s3], $0x80  }
0x98: {  	[sflag:s3] =	ssyncset.done $0x0  }
0x99: {  	[sflag:s3] =	ssyncadd.s32 $0xFFFFFF80  }
0x9a: {  	_ =	swait.ge [sflag:s3], $0x80  }
0x9b: {  	[sflag:s3] =	ssyncset.done $0x0  }
0x9c: {  	[sflag:s3] =	ssyncadd.s32 $0xFFFFFF80  }
0x9d: {  	_ =	swait.ge [sflag:s3], $0x80  }
0x9e: {  	[sflag:s3] =	ssyncset.done $0x0  }
0x9f: {  	[sflag:s3] =	ssyncadd.s32 $0xFFFFFF80  }
0xa0: {  	_ =	swait.ge [sflag:s3], $0x80  }
0xa1: {  	[sflag:s3] =	ssyncset.done $0x0  }
0xa2: {  	[sflag:s3] =	ssyncadd.s32 $0xFFFFFF80  }
0xa3: {  	_ =	swait.ge [sflag:s3], $0x80  }
0xa4: {  	[sflag:s3] =	ssyncset.done $0x0  }
0xa5: {  	[sflag:s3] =	ssyncadd.s32 $0xFFFFFF80  }
0xa6: {  	_ =	swait.ge [sflag:s3], $0x80  }
0xa7: {  	[sflag:s3] =	ssyncset.done $0x0  }
0xa8: {  	[sflag:s3] =	ssyncadd.s32 $0xFFFFFF80  }
0xa9: {  	_ =	swait.ge [sflag:s3], $0x80  }
0xaa: {  	[sflag:s3] =	ssyncset.done $0x0  }
0xab: {  	[sflag:s3] =	ssyncadd.s32 $0xFFFFFF80  }
0xac: {  	_ =	swait.ge [sflag:s3], $0x80  }
0xad: {  	[sflag:s3] =	ssyncset.done $0x0  }
0xae: {  	[sflag:s3] =	ssyncadd.s32 $0xFFFFFF80  }
0xaf: {  	_ =	swait.ge [sflag:s3], $0x80  }
0xb0: {  	[sflag:s3] =	ssyncset.done $0x0  }
0xb1: {  	s18 =	sadd.s32 $0x1, s18;
	[sflag:s3] =	ssyncadd.s32 $0xFFFFFF80  }
0xb2: {  	p1 =	sne.s32 s18, s6;
	_ =	swait.ge [sflag:s3], $0x80  }
0xb3: {  	s20 =	sshrl.u32 @!p0 s1, $0x3;
	s21 =	simm.s32 @!p0 $0x1;
	[sflag:s3] =	ssyncset.done $0x0  }
0xb4: {  	s22 =	simm.s32 @!p0 $0x20;
	s23 =	simm.s32 @!p0 $0x10;
	[sflag:s3] =	ssyncadd.s32 $0xFFFFFF80  }
.Ltmp1:
0xb5: {  	s24 =	simm.s32 @!p0 $0x1C02;
	[bflag:$0x0] =	sbarrier.arrive $0xFFFF;
	(pc) =	sbr.rel @p1 .LBB2_1-.Ltmp1, $4  }
0xb6: {  	[hbm:s5@s22], [sflag:s24] =	dma.strided @!p0 [spmem:s20@s23], $0x20, s21, $0x10   }
0xb7: {  	_ =	swait.ge @!p0 [sflag:s19], $0x20  }
0xb8: {  	[sflag:s19] =	ssyncset.done @!p0 $0x0  }
0xb9: {  	[sflag:s19] =	ssyncadd.s32 @!p0 $0xFFFFFFE0  }
0xba: {  	_ =	sfence.sel $0x180000  }
0xbb: {  	[bflag:$0x0] =	sbarrier.arrive $0xFFFF  }
0xbc: {  	_ =	strace $0x90000047  }
0xbd: {  	[bflag:$0x2] =	sbarrier.arrive $0xFFFF  }
0xbe: {  	s0 =	rddreg [dreg:$0x2]  }
0xbf: {  	s0 =	sadd.s32 @!p0 $0x100000, s0  }
0xc0: {  	[sflag:s0] =	ssyncadd.tile.s32 @!p0 $0x1;
	_ =	shalt  }
.Lfunc_end2:
_tile_overlayer_lowered:
.L_overlay_start_2:
0xc1: {  	(tag) =	ssettag $0x2  }
0xc2: {  	s0 =	rddreg [dreg:$0x0];
	s2 =	stileid.u32  }
0xc3: {  	s1 =	rddreg [dreg:$0x1];
	p0 =	sne.s32 s2, $0x0  }
0xc4: {  	s3 =	rddreg [dreg:$0x2];
	[bflag:$0x3] =	sbarrier.arrive $0xFFFF;
	s2 =	simm.s32 @!p0 $0x1C02  }
0xc5: {  	[timem:s3], [sflag:s2] =	dma.local @!p0 [hbm:s0], s1  }
0xc6: {  	s0 =	simm.s32 @!p0 $0x2  }
0xc7: {  	_ =	swait.ge @!p0 [sflag:s0], s1  }
0xc8: {  	s1 =	ssub.s32 @!p0 $0x0, s1;
	[sflag:s0] =	ssyncset.done @!p0 $0x0  }
0xc9: {  	[sflag:s0] =	ssyncadd.s32 @!p0 s1  }
0xca: {  	[bflag:$0x3] =	sbarrier.arrive $0xFFFF  }
0xcb: {  	_ =	shalt  }

</sc_bundles>
